<compile_context>
chip_gen: v7x
topology: tpu7x:2x2x1
jax: 0.10.2.dev20260603
libtpu: 0.0.44.dev20260713+nightly
codegen_flags: <defaults>
</compile_context>

<pallas_src>
import functools

import jax
import jax.numpy as jnp
from jax import lax
from jax.experimental import pallas as pl
from jax.experimental.pallas import tpu as pltpu
from jax.experimental.pallas import tpu_sc as plsc

N = 10000
D = 128
E = 320000
NC = 2
NS = 16
NW = NC * NS
K = 256
CH = -(-E // (NW * K))
EPAD = NW * CH * K
NP = 10240
NROW = NP // NS
NRC = 320 if K >= 320 else 160
NCP = NROW // NRC
D2 = D // 2
CHS = EPAD // (NS * K)

@functools.cache
def _sc_deg_call():
    mesh = plsc.VectorSubcoreMesh(
        core_axis_name="c", subcore_axis_name="s", num_cores=NC, num_subcores=NS)
    return pl.kernel(
        _sc_deg_body,
        compiler_params=pltpu.CompilerParams(use_tc_tiling_on_sc=False),
        out_type=jax.ShapeDtypeStruct((NC * NP, 16), jnp.float32),
        mesh=mesh,
        scratch_types=[
            pltpu.VMEM((CH, K), jnp.int32),
            pltpu.VMEM((K, 16), jnp.float32),
            pltpu.VMEM((NROW, 16), jnp.float32),
            pltpu.VMEM_SHARED((NP, 16), jnp.float32),
        ],
    )


def _sc_deg(*args):
    return _sc_deg_call()(*args)


def _sc_deg_body(col_hbm, ones_hbm, zeros_hbm, out_hbm, col_v, ones_v, stage, acc):
    c = lax.axis_index("c")
    s = lax.axis_index("s")
    w = c * NS + s
    pltpu.sync_copy(col_hbm.at[w], col_v)
    pltpu.sync_copy(ones_hbm, ones_v)
    pltpu.sync_copy(zeros_hbm, stage)
    pltpu.sync_copy(stage, acc.at[pl.ds(s * NROW, NROW)])
    plsc.subcore_barrier()

    @pl.loop(0, CH)
    def _(ch):
        pltpu.sync_copy(ones_v, acc.at[col_v.at[ch]], add=True)

    plsc.subcore_barrier()
    pltpu.sync_copy(acc.at[pl.ds(s * NROW, NROW)], stage)
    pltpu.sync_copy(stage, out_hbm.at[pl.ds(c * NP + s * NROW, NROW)])


@functools.cache
def _sc_scatter_call():
    mesh = plsc.VectorSubcoreMesh(
        core_axis_name="c", subcore_axis_name="s", num_cores=NC, num_subcores=NS)
    return pl.kernel(
        _sc_scatter_body,
        compiler_params=pltpu.CompilerParams(use_tc_tiling_on_sc=False),
        out_type=jax.ShapeDtypeStruct((NC * NP, D2), jnp.float32),
        mesh=mesh,
        scratch_types=[
            pltpu.VMEM((CHS, K), jnp.int32),
            pltpu.VMEM((CHS, K), jnp.int32),
            pltpu.VMEM((K, D2), jnp.float32),
            pltpu.VMEM_SHARED((NP, D2), jnp.float32),
            pltpu.SemaphoreType.DMA,
        ],
    )


def _sc_scatter(*args):
    return _sc_scatter_call()(*args)


def _sc_scatter_body(y_hbm, row_hbm, col_hbm, zeros_hbm, out_hbm,
                     row_v, col_v, buf0, acc, sem0):
    c = lax.axis_index("c")
    s = lax.axis_index("s")
    pltpu.sync_copy(row_hbm.at[s], row_v)
    pltpu.sync_copy(col_hbm.at[s], col_v)
    b_nrc = buf0.at[pl.ds(0, NRC)]
    pltpu.sync_copy(zeros_hbm, b_nrc)
    for kk in range(NCP):
        pltpu.sync_copy(b_nrc, acc.at[pl.ds(s * NROW + kk * NRC, NRC)])
    plsc.subcore_barrier()

    yc = y_hbm.at[c]
    @pl.loop(0, CHS)
    def _(ch):
        pltpu.async_copy(yc.at[row_v.at[ch]], buf0, sem0).wait()
        pltpu.sync_copy(buf0, acc.at[col_v.at[ch]], add=True)

    plsc.subcore_barrier()
    for kk in range(NCP):
        base = s * NROW + kk * NRC
        pltpu.sync_copy(acc.at[pl.ds(base, NRC)], b_nrc)
        pltpu.sync_copy(b_nrc, out_hbm.at[pl.ds(c * NP + base, NRC)])


BLK = 1000
_DN = (((1,), (1,)), ((), ()))


def _mlp_block(xb, w0, b0, w1, b1, wr, br):
    res = lax.dot_general(xb, wr, _DN, preferred_element_type=jnp.float32) + br
    h = jnp.maximum(
        lax.dot_general(xb, w0, _DN, preferred_element_type=jnp.float32) + b0, 0.0)
    return lax.dot_general(h, w1, _DN, preferred_element_type=jnp.float32) + b1 + res


def _dis_block(d0, d1):
    deg = d0[:, 0:1] + d1[:, 0:1]
    return lax.rsqrt(deg)


def _stage1_body(d0, d1, x, w0, b0, w1, b1, wr, br, y1_o, xs0_o):
    dis = _dis_block(d0, d1)
    xb = x[...]
    y1 = dis * xb
    y1_o[0] = y1[:, :D2]
    y1_o[1] = y1[:, D2:]
    xs0_o[...] = _mlp_block(xb, w0[...], b0[...], w1[...], b1[...], wr[...], br[...])


def _stage2_body(d0, d1, pa, pb, w0, b0, w1, b1, wr, br, xs1_o, y2_o):
    dis = _dis_block(d0, d1)
    cur1 = dis * jnp.concatenate([pa[...], pb[...]], axis=1)
    xs1_o[...] = _mlp_block(cur1, w0[...], b0[...], w1[...], b1[...], wr[...], br[...])
    y2 = dis * cur1
    y2_o[0] = y2[:, :D2]
    y2_o[1] = y2[:, D2:]


def _stage3_body(d0, d1, qa, qb, xs0, xs1, w0, b0, w1, b1, wr, br,
                 ml0w, ml0b, ml1w, ml1b, mresw, mresb, out_o):
    dis = _dis_block(d0, d1)
    cur2 = dis * jnp.concatenate([qa[...], qb[...]], axis=1)
    xs2 = _mlp_block(cur2, w0[...], b0[...], w1[...], b1[...], wr[...], br[...])
    h = jnp.concatenate([xs0[...], xs1[...], xs2], axis=1)
    out_o[...] = _mlp_block(h, ml0w[...], ml0b[...], ml1w[...], ml1b[...],
                            mresw[...], mresb[...])


def _row_spec(width):
    return pl.BlockSpec((BLK, width), lambda i: (i, 0))


def _full_spec(shape):
    return pl.BlockSpec(shape, lambda i: (0,) * len(shape))


def _tc_call(body, in_shapes, out_widths):
    grid = (N // BLK,)
    in_specs = []
    for shp in in_shapes:
        if shp[0] == N:
            in_specs.append(_row_spec(shp[1]))
        else:
            in_specs.append(_full_spec(shp))
    out_specs, out_shapes = [], []
    for w in out_widths:
        if isinstance(w, tuple):
            out_specs.append(pl.BlockSpec((2, BLK, w[1]), lambda i: (0, i, 0)))
            out_shapes.append(jax.ShapeDtypeStruct((2, N, w[1]), jnp.float32))
        else:
            out_specs.append(_row_spec(w))
            out_shapes.append(jax.ShapeDtypeStruct((N, w), jnp.float32))
    return pl.pallas_call(
        body,
        grid=grid,
        in_specs=in_specs,
        out_specs=out_specs,
        out_shape=out_shapes,
    )


def kernel(x, edge_index, b_l0_w, b_l0_b, b_l1_w, b_l1_b, b_res_w, b_res_b,
           m_l0_w, m_l0_b, m_l1_w, m_l1_b, m_res_w, m_res_b):
    f32 = jnp.float32
    row = edge_index[0]
    col = edge_index[1]
    pad = EPAD - E
    row_p = jnp.concatenate([row, jnp.zeros((pad,), jnp.int32)])
    col_p = jnp.concatenate([col, jnp.full((pad,), N, jnp.int32)])
    row_w = row_p.reshape(NW, CH, K)
    col_w = col_p.reshape(NW, CH, K)
    row_s = row_p.reshape(NS, CHS, K)
    col_s = col_p.reshape(NS, CHS, K)

    ones16 = jnp.ones((K, 16), f32)
    zeros16 = jnp.zeros((NROW, 16), f32)
    zerosD2 = jnp.zeros((NRC, D2), f32)

    degp = _sc_deg(col_w, ones16, zeros16)
    d0, d1 = degp[:N], degp[NP:NP + N]

    b1_ = [b.reshape(1, -1) for b in
           (b_l0_b[0], b_l1_b[0], b_res_b[0], b_l0_b[1], b_l1_b[1], b_res_b[1],
            b_l0_b[2], b_l1_b[2], b_res_b[2], m_l0_b, m_l1_b, m_res_b)]
    (bl0b0, bl1b0, brb0, bl0b1, bl1b1, brb1, bl0b2, bl1b2, brb2,
     ml0b, ml1b, mresb) = b1_

    def _gcn_sc(y_st):
        p = _sc_scatter(y_st, row_s, col_s, zerosD2)
        return p[:N], p[NP:NP + N]

    s1_in = [d0, d1, x, b_l0_w[0], bl0b0, b_l1_w[0], bl1b0, b_res_w[0], brb0]
    y1st, xs0 = _tc_call(_stage1_body, [a.shape for a in s1_in],
                         [("stack", D2), D])(*s1_in)

    pa, pb = _gcn_sc(y1st)
    s2_in = [d0, d1, pa, pb, b_l0_w[1], bl0b1, b_l1_w[1], bl1b1, b_res_w[1], brb1]
    xs1, y2st = _tc_call(_stage2_body, [a.shape for a in s2_in],
                         [D, ("stack", D2)])(*s2_in)

    qa, qb = _gcn_sc(y2st)
    s3_in = [d0, d1, qa, qb, xs0, xs1, b_l0_w[2], bl0b2, b_l1_w[2],
             bl1b2, b_res_w[2], brb2, m_l0_w, ml0b, m_l1_w, ml1b, m_res_w, mresb]
    (out,) = _tc_call(_stage3_body, [a.shape for a in s3_in], [D])(*s3_in)
    return out

# --- scband reference (transcript-rebuilt; emitter-appended) ---
"""Pipeline reference for scband-sign-31808527794885 (READ-ONLY COPY).

The authoritative reference and input builder live on the scoring server;
editing this copy changes nothing except your own understanding.
"""

import jax, jax.numpy as jnp
import numpy as np

N = 10000
E = 320000
D = 128
H = 128
OUT = 128
HOPS = 3

def _init_linear(key, out_dim, in_dim):
    k1, k2 = jax.random.split(key)
    bound = 1.0 / np.sqrt(in_dim)
    w = jax.random.uniform(k1, (out_dim, in_dim), minval=-bound, maxval=bound, dtype=jnp.float32)
    b = jax.random.uniform(k2, (out_dim,), minval=-bound, maxval=bound, dtype=jnp.float32)
    return w, b

def setup_inputs(seed: int = 0):
    key = jax.random.key(seed)
    kx, ke, kp = jax.random.split(key, 3)
    x = jax.random.normal(kx, (N, D), dtype=jnp.float32)
    edge_index = jax.random.randint(ke, (2, E), 0, N, dtype=jnp.int32)
    pks = jax.random.split(kp, 3 * HOPS + 3)
    b_l0, b_l0b, b_l1, b_l1b, b_r, b_rb = [], [], [], [], [], []
    for i in range(HOPS):
        w, b = _init_linear(pks[3 * i], H, D); b_l0.append(w); b_l0b.append(b)
        w, b = _init_linear(pks[3 * i + 1], H, H); b_l1.append(w); b_l1b.append(b)
        w, b = _init_linear(pks[3 * i + 2], H, D); b_r.append(w); b_rb.append(b)
    m_l0_w, m_l0_b = _init_linear(pks[3 * HOPS], H, H * HOPS)
    m_l1_w, m_l1_b = _init_linear(pks[3 * HOPS + 1], OUT, H)
    m_res_w, m_res_b = _init_linear(pks[3 * HOPS + 2], OUT, H * HOPS)
    return {
        "x": x,
        "edge_index": edge_index,
        "b_l0_w": jnp.stack(b_l0), "b_l0_b": jnp.stack(b_l0b),
        "b_l1_w": jnp.stack(b_l1), "b_l1_b": jnp.stack(b_l1b),
        "b_res_w": jnp.stack(b_r), "b_res_b": jnp.stack(b_rb),
        "m_l0_w": m_l0_w, "m_l0_b": m_l0_b,
        "m_l1_w": m_l1_w, "m_l1_b": m_l1_b,
        "m_res_w": m_res_w, "m_res_b": m_res_b,
    }

def _mlp(x, l0_w, l0_b, l1_w, l1_b, res_w, res_b):
    res = x @ res_w.T + res_b
    h = jax.nn.relu(x @ l0_w.T + l0_b)
    return h @ l1_w.T + l1_b + res

def _gcn(x, edge_index):
    row, col = edge_index[0], edge_index[1]
    deg = jnp.zeros((x.shape[0],), dtype=x.dtype).at[col].add(1.0)
    dis = deg ** -0.5
    norm = dis[row] * dis[col]
    msg = norm[:, None] * x[row]
    return jnp.zeros_like(x).at[col].add(msg)

def reference(x, edge_index, b_l0_w, b_l0_b, b_l1_w, b_l1_b, b_res_w, b_res_b, m_l0_w, m_l0_b, m_l1_w, m_l1_b, m_res_w, m_res_b):
    xs = [_mlp(x, b_l0_w[0], b_l0_b[0], b_l1_w[0], b_l1_b[0], b_res_w[0], b_res_b[0])]
    cur = x
    for i in range(1, HOPS):
        cur = _gcn(cur, edge_index)
        xs.append(_mlp(cur, b_l0_w[i], b_l0_b[i], b_l1_w[i], b_l1_b[i], b_res_w[i], b_res_b[i]))
    h = jnp.concatenate(xs, axis=-1)
    return _mlp(h, m_l0_w, m_l0_b, m_l1_w, m_l1_b, m_res_w, m_res_b)

if __name__ == "__main__":
    import jax
    _d = setup_inputs()
    print(jax.jit(kernel)(*tuple(_d.values())))

</pallas_src>

<mosaic_0001>
#map = affine_map<(d0, d1) -> (0, 0, 0)>
#map1 = affine_map<(d0, d1) -> (0, 0)>
module attributes {stable_mosaic.version = 14 : i64} {
  func.func @_sc_scatter_body(%arg0: i32, %arg1: i32, %arg2: memref<2x10000x64xf32, #tpu.memory_space<hbm>>, %arg3: memref<16x80x256xi32, #tpu.memory_space<hbm>>, %arg4: memref<16x80x256xi32, #tpu.memory_space<hbm>>, %arg5: memref<160x64xf32, #tpu.memory_space<hbm>>, %arg6: memref<20480x64xf32, #tpu.memory_space<hbm>>, %arg7: memref<80x256xi32, #tpu.memory_space<vmem>>, %arg8: memref<80x256xi32, #tpu.memory_space<vmem>>, %arg9: memref<256x64xf32, #tpu.memory_space<vmem>>, %arg10: memref<10240x64xf32, #tpu.memory_space<vmem_shared>>, %arg11: memref<!tpu.dma_semaphore, #tpu.memory_space<semaphore_mem>>) attributes {dimension_semantics = [#tpu.dimension_semantics<core_parallel>, #tpu.dimension_semantics<subcore_parallel>], iteration_bounds = array<i64: 2, 16>, scalar_prefetch = 0 : i64, scratch_operands = 5 : i64, tpu.core_type = #tpu.core_type<sc_vector_subcore>, window_params = [{transform_indices = #map}, {transform_indices = #map}, {transform_indices = #map}, {transform_indices = #map1}, {transform_indices = #map1}]} {
    "tpu.region"() ({
      %run_scoped3A = tpu.sem_alloc : memref<!tpu.dma_semaphore, #tpu.memory_space<semaphore_mem>>
      %dma_start3A = arith.constant 0 : i32
      %dma_start3A_47 = arith.constant 0 : i32
      %dma_start3A_48 = tpu.memref_slice %arg3[%arg1, %dma_start3A, %dma_start3A_47] : memref<16x80x256xi32, #tpu.memory_space<hbm>> -> memref<1x80x256xi32, #tpu.memory_space<hbm>>
      %dma_start3A_49 = tpu.memref_squeeze %dma_start3A_48 : memref<1x80x256xi32, #tpu.memory_space<hbm>> -> memref<80x256xi32, #tpu.memory_space<hbm>>
      %dma_start3A_50 = arith.constant 0 : i32
      %dma_start3A_51 = arith.constant 0 : i32
      %dma_start3A_52 = tpu.memref_slice %arg3[%arg1, %dma_start3A_50, %dma_start3A_51] : memref<16x80x256xi32, #tpu.memory_space<hbm>> -> memref<1x80x256xi32, #tpu.memory_space<hbm>>
      %dma_start3A_53 = tpu.memref_squeeze %dma_start3A_52 : memref<1x80x256xi32, #tpu.memory_space<hbm>> -> memref<80x256xi32, #tpu.memory_space<hbm>>
      tpu.enqueue_dma source(%dma_start3A_53 : memref<80x256xi32, #tpu.memory_space<hbm>>) target(%arg7 : memref<80x256xi32, #tpu.memory_space<vmem>>) target_semaphore(%run_scoped3A : memref<!tpu.dma_semaphore, #tpu.memory_space<semaphore_mem>>)
      %dma_wait3A = arith.constant 0 : i32
      %dma_wait3A_54 = arith.constant 0 : i32
      %dma_wait3A_55 = tpu.memref_slice %arg3[%arg1, %dma_wait3A, %dma_wait3A_54] : memref<16x80x256xi32, #tpu.memory_space<hbm>> -> memref<1x80x256xi32, #tpu.memory_space<hbm>>
      %dma_wait3A_56 = tpu.memref_squeeze %dma_wait3A_55 : memref<1x80x256xi32, #tpu.memory_space<hbm>> -> memref<80x256xi32, #tpu.memory_space<hbm>>
      %dma_wait3A_57 = arith.constant 0 : i32
      %dma_wait3A_58 = arith.constant 0 : i32
      %dma_wait3A_59 = tpu.memref_slice %arg3[%arg1, %dma_wait3A_57, %dma_wait3A_58] : memref<16x80x256xi32, #tpu.memory_space<hbm>> -> memref<1x80x256xi32, #tpu.memory_space<hbm>>
      %dma_wait3A_60 = tpu.memref_squeeze %dma_wait3A_59 : memref<1x80x256xi32, #tpu.memory_space<hbm>> -> memref<80x256xi32, #tpu.memory_space<hbm>>
      tpu.wait_dma2 semaphore(%run_scoped3A : memref<!tpu.dma_semaphore, #tpu.memory_space<semaphore_mem>>) src(%dma_wait3A_60 : memref<80x256xi32, #tpu.memory_space<hbm>>) dst(%arg7 : memref<80x256xi32, #tpu.memory_space<vmem>>)
      tpu.yield
    }) : () -> ()
    "tpu.region"() ({
      %run_scoped3A = tpu.sem_alloc : memref<!tpu.dma_semaphore, #tpu.memory_space<semaphore_mem>>
      %dma_start3A = arith.constant 0 : i32
      %dma_start3A_47 = arith.constant 0 : i32
      %dma_start3A_48 = tpu.memref_slice %arg4[%arg1, %dma_start3A, %dma_start3A_47] : memref<16x80x256xi32, #tpu.memory_space<hbm>> -> memref<1x80x256xi32, #tpu.memory_space<hbm>>
      %dma_start3A_49 = tpu.memref_squeeze %dma_start3A_48 : memref<1x80x256xi32, #tpu.memory_space<hbm>> -> memref<80x256xi32, #tpu.memory_space<hbm>>
      %dma_start3A_50 = arith.constant 0 : i32
      %dma_start3A_51 = arith.constant 0 : i32
      %dma_start3A_52 = tpu.memref_slice %arg4[%arg1, %dma_start3A_50, %dma_start3A_51] : memref<16x80x256xi32, #tpu.memory_space<hbm>> -> memref<1x80x256xi32, #tpu.memory_space<hbm>>
      %dma_start3A_53 = tpu.memref_squeeze %dma_start3A_52 : memref<1x80x256xi32, #tpu.memory_space<hbm>> -> memref<80x256xi32, #tpu.memory_space<hbm>>
      tpu.enqueue_dma source(%dma_start3A_53 : memref<80x256xi32, #tpu.memory_space<hbm>>) target(%arg8 : memref<80x256xi32, #tpu.memory_space<vmem>>) target_semaphore(%run_scoped3A : memref<!tpu.dma_semaphore, #tpu.memory_space<semaphore_mem>>)
      %dma_wait3A = arith.constant 0 : i32
      %dma_wait3A_54 = arith.constant 0 : i32
      %dma_wait3A_55 = tpu.memref_slice %arg4[%arg1, %dma_wait3A, %dma_wait3A_54] : memref<16x80x256xi32, #tpu.memory_space<hbm>> -> memref<1x80x256xi32, #tpu.memory_space<hbm>>
      %dma_wait3A_56 = tpu.memref_squeeze %dma_wait3A_55 : memref<1x80x256xi32, #tpu.memory_space<hbm>> -> memref<80x256xi32, #tpu.memory_space<hbm>>
      %dma_wait3A_57 = arith.constant 0 : i32
      %dma_wait3A_58 = arith.constant 0 : i32
      %dma_wait3A_59 = tpu.memref_slice %arg4[%arg1, %dma_wait3A_57, %dma_wait3A_58] : memref<16x80x256xi32, #tpu.memory_space<hbm>> -> memref<1x80x256xi32, #tpu.memory_space<hbm>>
      %dma_wait3A_60 = tpu.memref_squeeze %dma_wait3A_59 : memref<1x80x256xi32, #tpu.memory_space<hbm>> -> memref<80x256xi32, #tpu.memory_space<hbm>>
      tpu.wait_dma2 semaphore(%run_scoped3A : memref<!tpu.dma_semaphore, #tpu.memory_space<semaphore_mem>>) src(%dma_wait3A_60 : memref<80x256xi32, #tpu.memory_space<hbm>>) dst(%arg8 : memref<80x256xi32, #tpu.memory_space<vmem>>)
      tpu.yield
    }) : () -> ()
    "tpu.region"() ({
      %run_scoped3A = tpu.sem_alloc : memref<!tpu.dma_semaphore, #tpu.memory_space<semaphore_mem>>
      %dma_start3A = arith.constant 0 : i32
      %dma_start3A_47 = arith.constant 0 : i32
      %dma_start3A_48 = tpu.memref_slice %arg9[%dma_start3A, %dma_start3A_47] : memref<256x64xf32, #tpu.memory_space<vmem>> -> memref<160x64xf32, #tpu.memory_space<vmem>>
      %dma_start3A_49 = arith.constant 0 : i32
      %dma_start3A_50 = arith.constant 0 : i32
      %dma_start3A_51 = tpu.memref_slice %arg9[%dma_start3A_49, %dma_start3A_50] : memref<256x64xf32, #tpu.memory_space<vmem>> -> memref<160x64xf32, #tpu.memory_space<vmem>>
      tpu.enqueue_dma source(%arg5 : memref<160x64xf32, #tpu.memory_space<hbm>>) target(%dma_start3A_51 : memref<160x64xf32, #tpu.memory_space<vmem>>) target_semaphore(%run_scoped3A : memref<!tpu.dma_semaphore, #tpu.memory_space<semaphore_mem>>)
      %dma_wait3A = arith.constant 0 : i32
      %dma_wait3A_52 = arith.constant 0 : i32
      %dma_wait3A_53 = tpu.memref_slice %arg9[%dma_wait3A, %dma_wait3A_52] : memref<256x64xf32, #tpu.memory_space<vmem>> -> memref<160x64xf32, #tpu.memory_space<vmem>>
      %dma_wait3A_54 = arith.constant 0 : i32
      %dma_wait3A_55 = arith.constant 0 : i32
      %dma_wait3A_56 = tpu.memref_slice %arg9[%dma_wait3A_54, %dma_wait3A_55] : memref<256x64xf32, #tpu.memory_space<vmem>> -> memref<160x64xf32, #tpu.memory_space<vmem>>
      tpu.wait_dma2 semaphore(%run_scoped3A : memref<!tpu.dma_semaphore, #tpu.memory_space<semaphore_mem>>) src(%arg5 : memref<160x64xf32, #tpu.memory_space<hbm>>) dst(%dma_wait3A_56 : memref<160x64xf32, #tpu.memory_space<vmem>>)
      tpu.yield
    }) : () -> ()
    %mul3A = arith.constant 640 : i32
    %mul3A_0 = arith.muli %arg1, %mul3A : i32
    %add3A = arith.constant 0 : i32
    %add3A_1 = arith.addi %mul3A_0, %add3A : i32
    "tpu.region"() ({
      %run_scoped3A = tpu.sem_alloc : memref<!tpu.dma_semaphore, #tpu.memory_space<semaphore_mem>>
      %dma_start3A = arith.constant 0 : i32
      %dma_start3A_47 = arith.constant 0 : i32
      %dma_start3A_48 = tpu.memref_slice %arg9[%dma_start3A, %dma_start3A_47] : memref<256x64xf32, #tpu.memory_space<vmem>> -> memref<160x64xf32, #tpu.memory_space<vmem>>
      %dma_start3A_49 = arith.constant 0 : i32
      %dma_start3A_50 = tpu.memref_slice %arg10[%add3A_1, %dma_start3A_49] : memref<10240x64xf32, #tpu.memory_space<vmem_shared>> -> memref<160x64xf32, #tpu.memory_space<vmem_shared>>
      %dma_start3A_51 = arith.constant 0 : i32
      %dma_start3A_52 = tpu.memref_slice %arg10[%add3A_1, %dma_start3A_51] : memref<10240x64xf32, #tpu.memory_space<vmem_shared>> -> memref<160x64xf32, #tpu.memory_space<vmem_shared>>
      %dma_start3A_53 = arith.constant 0 : i32
      %dma_start3A_54 = arith.constant 0 : i32
      %dma_start3A_55 = tpu.memref_slice %arg9[%dma_start3A_53, %dma_start3A_54] : memref<256x64xf32, #tpu.memory_space<vmem>> -> memref<160x64xf32, #tpu.memory_space<vmem>>
      tpu.enqueue_dma source(%dma_start3A_55 : memref<160x64xf32, #tpu.memory_space<vmem>>) target(%dma_start3A_52 : memref<160x64xf32, #tpu.memory_space<vmem_shared>>) target_semaphore(%run_scoped3A : memref<!tpu.dma_semaphore, #tpu.memory_space<semaphore_mem>>)
      %dma_wait3A = arith.constant 0 : i32
      %dma_wait3A_56 = arith.constant 0 : i32
      %dma_wait3A_57 = tpu.memref_slice %arg9[%dma_wait3A, %dma_wait3A_56] : memref<256x64xf32, #tpu.memory_space<vmem>> -> memref<160x64xf32, #tpu.memory_space<vmem>>
      %dma_wait3A_58 = arith.constant 0 : i32
      %dma_wait3A_59 = tpu.memref_slice %arg10[%add3A_1, %dma_wait3A_58] : memref<10240x64xf32, #tpu.memory_space<vmem_shared>> -> memref<160x64xf32, #tpu.memory_space<vmem_shared>>
      %dma_wait3A_60 = arith.constant 0 : i32
      %dma_wait3A_61 = tpu.memref_slice %arg10[%add3A_1, %dma_wait3A_60] : memref<10240x64xf32, #tpu.memory_space<vmem_shared>> -> memref<160x64xf32, #tpu.memory_space<vmem_shared>>
      %dma_wait3A_62 = arith.constant 0 : i32
      %dma_wait3A_63 = arith.constant 0 : i32
      %dma_wait3A_64 = tpu.memref_slice %arg9[%dma_wait3A_62, %dma_wait3A_63] : memref<256x64xf32, #tpu.memory_space<vmem>> -> memref<160x64xf32, #tpu.memory_space<vmem>>
      tpu.wait_dma2 semaphore(%run_scoped3A : memref<!tpu.dma_semaphore, #tpu.memory_space<semaphore_mem>>) src(%dma_wait3A_64 : memref<160x64xf32, #tpu.memory_space<vmem>>) dst(%dma_wait3A_61 : memref<160x64xf32, #tpu.memory_space<vmem_shared>>)
      tpu.yield
    }) : () -> ()
    %mul3A_2 = arith.constant 640 : i32
    %mul3A_3 = arith.muli %arg1, %mul3A_2 : i32
    %add3A_4 = arith.constant 160 : i32
    %add3A_5 = arith.addi %mul3A_3, %add3A_4 : i32
    "tpu.region"() ({
      %run_scoped3A = tpu.sem_alloc : memref<!tpu.dma_semaphore, #tpu.memory_space<semaphore_mem>>
      %dma_start3A = arith.constant 0 : i32
      %dma_start3A_47 = arith.constant 0 : i32
      %dma_start3A_48 = tpu.memref_slice %arg9[%dma_start3A, %dma_start3A_47] : memref<256x64xf32, #tpu.memory_space<vmem>> -> memref<160x64xf32, #tpu.memory_space<vmem>>
      %dma_start3A_49 = arith.constant 0 : i32
      %dma_start3A_50 = tpu.memref_slice %arg10[%add3A_5, %dma_start3A_49] : memref<10240x64xf32, #tpu.memory_space<vmem_shared>> -> memref<160x64xf32, #tpu.memory_space<vmem_shared>>
      %dma_start3A_51 = arith.constant 0 : i32
      %dma_start3A_52 = tpu.memref_slice %arg10[%add3A_5, %dma_start3A_51] : memref<10240x64xf32, #tpu.memory_space<vmem_shared>> -> memref<160x64xf32, #tpu.memory_space<vmem_shared>>
      %dma_start3A_53 = arith.constant 0 : i32
      %dma_start3A_54 = arith.constant 0 : i32
      %dma_start3A_55 = tpu.memref_slice %arg9[%dma_start3A_53, %dma_start3A_54] : memref<256x64xf32, #tpu.memory_space<vmem>> -> memref<160x64xf32, #tpu.memory_space<vmem>>
      tpu.enqueue_dma source(%dma_start3A_55 : memref<160x64xf32, #tpu.memory_space<vmem>>) target(%dma_start3A_52 : memref<160x64xf32, #tpu.memory_space<vmem_shared>>) target_semaphore(%run_scoped3A : memref<!tpu.dma_semaphore, #tpu.memory_space<semaphore_mem>>)
      %dma_wait3A = arith.constant 0 : i32
      %dma_wait3A_56 = arith.constant 0 : i32
      %dma_wait3A_57 = tpu.memref_slice %arg9[%dma_wait3A, %dma_wait3A_56] : memref<256x64xf32, #tpu.memory_space<vmem>> -> memref<160x64xf32, #tpu.memory_space<vmem>>
      %dma_wait3A_58 = arith.constant 0 : i32
      %dma_wait3A_59 = tpu.memref_slice %arg10[%add3A_5, %dma_wait3A_58] : memref<10240x64xf32, #tpu.memory_space<vmem_shared>> -> memref<160x64xf32, #tpu.memory_space<vmem_shared>>
      %dma_wait3A_60 = arith.constant 0 : i32
      %dma_wait3A_61 = tpu.memref_slice %arg10[%add3A_5, %dma_wait3A_60] : memref<10240x64xf32, #tpu.memory_space<vmem_shared>> -> memref<160x64xf32, #tpu.memory_space<vmem_shared>>
      %dma_wait3A_62 = arith.constant 0 : i32
      %dma_wait3A_63 = arith.constant 0 : i32
      %dma_wait3A_64 = tpu.memref_slice %arg9[%dma_wait3A_62, %dma_wait3A_63] : memref<256x64xf32, #tpu.memory_space<vmem>> -> memref<160x64xf32, #tpu.memory_space<vmem>>
      tpu.wait_dma2 semaphore(%run_scoped3A : memref<!tpu.dma_semaphore, #tpu.memory_space<semaphore_mem>>) src(%dma_wait3A_64 : memref<160x64xf32, #tpu.memory_space<vmem>>) dst(%dma_wait3A_61 : memref<160x64xf32, #tpu.memory_space<vmem_shared>>)
      tpu.yield
    }) : () -> ()
    %mul3A_6 = arith.constant 640 : i32
    %mul3A_7 = arith.muli %arg1, %mul3A_6 : i32
    %add3A_8 = arith.constant 320 : i32
    %add3A_9 = arith.addi %mul3A_7, %add3A_8 : i32
    "tpu.region"() ({
      %run_scoped3A = tpu.sem_alloc : memref<!tpu.dma_semaphore, #tpu.memory_space<semaphore_mem>>
      %dma_start3A = arith.constant 0 : i32
      %dma_start3A_47 = arith.constant 0 : i32
      %dma_start3A_48 = tpu.memref_slice %arg9[%dma_start3A, %dma_start3A_47] : memref<256x64xf32, #tpu.memory_space<vmem>> -> memref<160x64xf32, #tpu.memory_space<vmem>>
      %dma_start3A_49 = arith.constant 0 : i32
      %dma_start3A_50 = tpu.memref_slice %arg10[%add3A_9, %dma_start3A_49] : memref<10240x64xf32, #tpu.memory_space<vmem_shared>> -> memref<160x64xf32, #tpu.memory_space<vmem_shared>>
      %dma_start3A_51 = arith.constant 0 : i32
      %dma_start3A_52 = tpu.memref_slice %arg10[%add3A_9, %dma_start3A_51] : memref<10240x64xf32, #tpu.memory_space<vmem_shared>> -> memref<160x64xf32, #tpu.memory_space<vmem_shared>>
      %dma_start3A_53 = arith.constant 0 : i32
      %dma_start3A_54 = arith.constant 0 : i32
      %dma_start3A_55 = tpu.memref_slice %arg9[%dma_start3A_53, %dma_start3A_54] : memref<256x64xf32, #tpu.memory_space<vmem>> -> memref<160x64xf32, #tpu.memory_space<vmem>>
      tpu.enqueue_dma source(%dma_start3A_55 : memref<160x64xf32, #tpu.memory_space<vmem>>) target(%dma_start3A_52 : memref<160x64xf32, #tpu.memory_space<vmem_shared>>) target_semaphore(%run_scoped3A : memref<!tpu.dma_semaphore, #tpu.memory_space<semaphore_mem>>)
      %dma_wait3A = arith.constant 0 : i32
      %dma_wait3A_56 = arith.constant 0 : i32
      %dma_wait3A_57 = tpu.memref_slice %arg9[%dma_wait3A, %dma_wait3A_56] : memref<256x64xf32, #tpu.memory_space<vmem>> -> memref<160x64xf32, #tpu.memory_space<vmem>>
      %dma_wait3A_58 = arith.constant 0 : i32
      %dma_wait3A_59 = tpu.memref_slice %arg10[%add3A_9, %dma_wait3A_58] : memref<10240x64xf32, #tpu.memory_space<vmem_shared>> -> memref<160x64xf32, #tpu.memory_space<vmem_shared>>
      %dma_wait3A_60 = arith.constant 0 : i32
      %dma_wait3A_61 = tpu.memref_slice %arg10[%add3A_9, %dma_wait3A_60] : memref<10240x64xf32, #tpu.memory_space<vmem_shared>> -> memref<160x64xf32, #tpu.memory_space<vmem_shared>>
      %dma_wait3A_62 = arith.constant 0 : i32
      %dma_wait3A_63 = arith.constant 0 : i32
      %dma_wait3A_64 = tpu.memref_slice %arg9[%dma_wait3A_62, %dma_wait3A_63] : memref<256x64xf32, #tpu.memory_space<vmem>> -> memref<160x64xf32, #tpu.memory_space<vmem>>
      tpu.wait_dma2 semaphore(%run_scoped3A : memref<!tpu.dma_semaphore, #tpu.memory_space<semaphore_mem>>) src(%dma_wait3A_64 : memref<160x64xf32, #tpu.memory_space<vmem>>) dst(%dma_wait3A_61 : memref<160x64xf32, #tpu.memory_space<vmem_shared>>)
      tpu.yield
    }) : () -> ()
    %mul3A_10 = arith.constant 640 : i32
    %mul3A_11 = arith.muli %arg1, %mul3A_10 : i32
    %add3A_12 = arith.constant 480 : i32
    %add3A_13 = arith.addi %mul3A_11, %add3A_12 : i32
    "tpu.region"() ({
      %run_scoped3A = tpu.sem_alloc : memref<!tpu.dma_semaphore, #tpu.memory_space<semaphore_mem>>
      %dma_start3A = arith.constant 0 : i32
      %dma_start3A_47 = arith.constant 0 : i32
      %dma_start3A_48 = tpu.memref_slice %arg9[%dma_start3A, %dma_start3A_47] : memref<256x64xf32, #tpu.memory_space<vmem>> -> memref<160x64xf32, #tpu.memory_space<vmem>>
      %dma_start3A_49 = arith.constant 0 : i32
      %dma_start3A_50 = tpu.memref_slice %arg10[%add3A_13, %dma_start3A_49] : memref<10240x64xf32, #tpu.memory_space<vmem_shared>> -> memref<160x64xf32, #tpu.memory_space<vmem_shared>>
      %dma_start3A_51 = arith.constant 0 : i32
      %dma_start3A_52 = tpu.memref_slice %arg10[%add3A_13, %dma_start3A_51] : memref<10240x64xf32, #tpu.memory_space<vmem_shared>> -> memref<160x64xf32, #tpu.memory_space<vmem_shared>>
      %dma_start3A_53 = arith.constant 0 : i32
      %dma_start3A_54 = arith.constant 0 : i32
      %dma_start3A_55 = tpu.memref_slice %arg9[%dma_start3A_53, %dma_start3A_54] : memref<256x64xf32, #tpu.memory_space<vmem>> -> memref<160x64xf32, #tpu.memory_space<vmem>>
      tpu.enqueue_dma source(%dma_start3A_55 : memref<160x64xf32, #tpu.memory_space<vmem>>) target(%dma_start3A_52 : memref<160x64xf32, #tpu.memory_space<vmem_shared>>) target_semaphore(%run_scoped3A : memref<!tpu.dma_semaphore, #tpu.memory_space<semaphore_mem>>)
      %dma_wait3A = arith.constant 0 : i32
      %dma_wait3A_56 = arith.constant 0 : i32
      %dma_wait3A_57 = tpu.memref_slice %arg9[%dma_wait3A, %dma_wait3A_56] : memref<256x64xf32, #tpu.memory_space<vmem>> -> memref<160x64xf32, #tpu.memory_space<vmem>>
      %dma_wait3A_58 = arith.constant 0 : i32
      %dma_wait3A_59 = tpu.memref_slice %arg10[%add3A_13, %dma_wait3A_58] : memref<10240x64xf32, #tpu.memory_space<vmem_shared>> -> memref<160x64xf32, #tpu.memory_space<vmem_shared>>
      %dma_wait3A_60 = arith.constant 0 : i32
      %dma_wait3A_61 = tpu.memref_slice %arg10[%add3A_13, %dma_wait3A_60] : memref<10240x64xf32, #tpu.memory_space<vmem_shared>> -> memref<160x64xf32, #tpu.memory_space<vmem_shared>>
      %dma_wait3A_62 = arith.constant 0 : i32
      %dma_wait3A_63 = arith.constant 0 : i32
      %dma_wait3A_64 = tpu.memref_slice %arg9[%dma_wait3A_62, %dma_wait3A_63] : memref<256x64xf32, #tpu.memory_space<vmem>> -> memref<160x64xf32, #tpu.memory_space<vmem>>
      tpu.wait_dma2 semaphore(%run_scoped3A : memref<!tpu.dma_semaphore, #tpu.memory_space<semaphore_mem>>) src(%dma_wait3A_64 : memref<160x64xf32, #tpu.memory_space<vmem>>) dst(%dma_wait3A_61 : memref<160x64xf32, #tpu.memory_space<vmem_shared>>)
      tpu.yield
    }) : () -> ()
    %barrier3A = arith.constant 0 : index
    tpu.barrier barrier_id(%barrier3A)
    %scan3A = arith.constant 0 : i32
    %scan3A_14 = arith.constant 80 : i32
    %scan3A_15 = arith.addi %scan3A, %scan3A_14 : i32
    %scan3A_16 = arith.constant 1 : i32
    scf.for %scan3A_47 = %scan3A to %scan3A_15 step %scan3A_16  : i32 {
      %mul3A_48 = arith.constant 1 : i32
      %mul3A_49 = arith.muli %scan3A_47, %mul3A_48 : i32
      %add3A_50 = arith.constant 0 : i32
      %add3A_51 = arith.addi %add3A_50, %mul3A_49 : i32
      %dma_start3A = arith.constant 0 : i32
      %dma_start3A_52 = tpu.memref_slice %arg7[%add3A_51, %dma_start3A] : memref<80x256xi32, #tpu.memory_space<vmem>> -> memref<1x256xi32, #tpu.memory_space<vmem>>
      %dma_start3A_53 = tpu.memref_squeeze %dma_start3A_52 : memref<1x256xi32, #tpu.memory_space<vmem>> -> memref<256xi32, #tpu.memory_space<vmem>>
      %dma_start3A_54 = arith.constant 0 : i32
      %dma_start3A_55 = arith.constant 0 : i32
      %dma_start3A_56 = tpu.memref_slice %arg2[%arg0, %dma_start3A_54, %dma_start3A_55] : memref<2x10000x64xf32, #tpu.memory_space<hbm>> -> memref<1x10000x64xf32, #tpu.memory_space<hbm>>
      %dma_start3A_57 = tpu.memref_squeeze %dma_start3A_56 : memref<1x10000x64xf32, #tpu.memory_space<hbm>> -> memref<10000x64xf32, #tpu.memory_space<hbm>>
      %dma_start3A_58 = arith.constant 0 : i32
      %dma_start3A_59 = arith.constant 0 : i32
      %dma_start3A_60 = tpu.memref_slice %dma_start3A_57[%dma_start3A_58, %dma_start3A_59] : memref<10000x64xf32, #tpu.memory_space<hbm>> -> memref<10000x64xf32, #tpu.memory_space<hbm>>
      tpu.enqueue_indirect_dma source(%dma_start3A_60 : memref<10000x64xf32, #tpu.memory_space<hbm>>) target(%arg9 : memref<256x64xf32, #tpu.memory_space<vmem>>) offsets(%dma_start3A_53 : memref<256xi32, #tpu.memory_space<vmem>>) semaphore(%arg11 : memref<!tpu.dma_semaphore, #tpu.memory_space<semaphore_mem>>)
      %dma_wait3A = arith.constant 0 : i32
      %dma_wait3A_61 = tpu.memref_slice %arg7[%add3A_51, %dma_wait3A] : memref<80x256xi32, #tpu.memory_space<vmem>> -> memref<1x256xi32, #tpu.memory_space<vmem>>
      %dma_wait3A_62 = tpu.memref_squeeze %dma_wait3A_61 : memref<1x256xi32, #tpu.memory_space<vmem>> -> memref<256xi32, #tpu.memory_space<vmem>>
      %dma_wait3A_63 = arith.constant 0 : i32
      %dma_wait3A_64 = arith.constant 0 : i32
      %dma_wait3A_65 = tpu.memref_slice %arg2[%arg0, %dma_wait3A_63, %dma_wait3A_64] : memref<2x10000x64xf32, #tpu.memory_space<hbm>> -> memref<1x10000x64xf32, #tpu.memory_space<hbm>>
      %dma_wait3A_66 = tpu.memref_squeeze %dma_wait3A_65 : memref<1x10000x64xf32, #tpu.memory_space<hbm>> -> memref<10000x64xf32, #tpu.memory_space<hbm>>
      %dma_wait3A_67 = arith.constant 0 : i32
      %dma_wait3A_68 = arith.constant 0 : i32
      %dma_wait3A_69 = tpu.memref_slice %dma_wait3A_66[%dma_wait3A_67, %dma_wait3A_68] : memref<10000x64xf32, #tpu.memory_space<hbm>> -> memref<10000x64xf32, #tpu.memory_space<hbm>>
      tpu.wait_indirect_dma semaphore(%arg11 : memref<!tpu.dma_semaphore, #tpu.memory_space<semaphore_mem>>) src(%dma_wait3A_69 : memref<10000x64xf32, #tpu.memory_space<hbm>>) dst(%arg9 : memref<256x64xf32, #tpu.memory_space<vmem>>)
      "tpu.region"() ({
        %run_scoped3A = tpu.sem_alloc : memref<!tpu.dma_semaphore, #tpu.memory_space<semaphore_mem>>
        %dma_start3A_70 = arith.constant 0 : i32
        %dma_start3A_71 = tpu.memref_slice %arg8[%add3A_51, %dma_start3A_70] : memref<80x256xi32, #tpu.memory_space<vmem>> -> memref<1x256xi32, #tpu.memory_space<vmem>>
        %dma_start3A_72 = tpu.memref_squeeze %dma_start3A_71 : memref<1x256xi32, #tpu.memory_space<vmem>> -> memref<256xi32, #tpu.memory_space<vmem>>
        %dma_start3A_73 = arith.constant 0 : i32
        %dma_start3A_74 = arith.constant 0 : i32
        %dma_start3A_75 = tpu.memref_slice %arg10[%dma_start3A_73, %dma_start3A_74] : memref<10240x64xf32, #tpu.memory_space<vmem_shared>> -> memref<10240x64xf32, #tpu.memory_space<vmem_shared>>
        tpu.enqueue_indirect_dma source(%arg9 : memref<256x64xf32, #tpu.memory_space<vmem>>) target(%dma_start3A_75 : memref<10240x64xf32, #tpu.memory_space<vmem_shared>>) offsets(%dma_start3A_72 : memref<256xi32, #tpu.memory_space<vmem>>) semaphore(%run_scoped3A : memref<!tpu.dma_semaphore, #tpu.memory_space<semaphore_mem>>) {add = true}
        %dma_wait3A_76 = arith.constant 0 : i32
        %dma_wait3A_77 = tpu.memref_slice %arg8[%add3A_51, %dma_wait3A_76] : memref<80x256xi32, #tpu.memory_space<vmem>> -> memref<1x256xi32, #tpu.memory_space<vmem>>
        %dma_wait3A_78 = tpu.memref_squeeze %dma_wait3A_77 : memref<1x256xi32, #tpu.memory_space<vmem>> -> memref<256xi32, #tpu.memory_space<vmem>>
        %dma_wait3A_79 = arith.constant 0 : i32
        %dma_wait3A_80 = arith.constant 0 : i32
        %dma_wait3A_81 = tpu.memref_slice %arg10[%dma_wait3A_79, %dma_wait3A_80] : memref<10240x64xf32, #tpu.memory_space<vmem_shared>> -> memref<10240x64xf32, #tpu.memory_space<vmem_shared>>
        tpu.wait_indirect_dma semaphore(%run_scoped3A : memref<!tpu.dma_semaphore, #tpu.memory_space<semaphore_mem>>) src(%arg9 : memref<256x64xf32, #tpu.memory_space<vmem>>) dst(%dma_wait3A_81 : memref<10240x64xf32, #tpu.memory_space<vmem_shared>>)
        tpu.yield
      }) : () -> ()
    }
    %scan3A_17 = arith.constant 80 : i32
    %barrier3A_18 = arith.constant 0 : index
    tpu.barrier barrier_id(%barrier3A_18)
    %mul3A_19 = arith.constant 640 : i32
    %mul3A_20 = arith.muli %arg1, %mul3A_19 : i32
    %add3A_21 = arith.constant 0 : i32
    %add3A_22 = arith.addi %mul3A_20, %add3A_21 : i32
    "tpu.region"() ({
      %run_scoped3A = tpu.sem_alloc : memref<!tpu.dma_semaphore, #tpu.memory_space<semaphore_mem>>
      %dma_start3A = arith.constant 0 : i32
      %dma_start3A_47 = arith.constant 0 : i32
      %dma_start3A_48 = tpu.memref_slice %arg9[%dma_start3A, %dma_start3A_47] : memref<256x64xf32, #tpu.memory_space<vmem>> -> memref<160x64xf32, #tpu.memory_space<vmem>>
      %dma_start3A_49 = arith.constant 0 : i32
      %dma_start3A_50 = tpu.memref_slice %arg10[%add3A_22, %dma_start3A_49] : memref<10240x64xf32, #tpu.memory_space<vmem_shared>> -> memref<160x64xf32, #tpu.memory_space<vmem_shared>>
      %dma_start3A_51 = arith.constant 0 : i32
      %dma_start3A_52 = arith.constant 0 : i32
      %dma_start3A_53 = tpu.memref_slice %arg9[%dma_start3A_51, %dma_start3A_52] : memref<256x64xf32, #tpu.memory_space<vmem>> -> memref<160x64xf32, #tpu.memory_space<vmem>>
      %dma_start3A_54 = arith.constant 0 : i32
      %dma_start3A_55 = tpu.memref_slice %arg10[%add3A_22, %dma_start3A_54] : memref<10240x64xf32, #tpu.memory_space<vmem_shared>> -> memref<160x64xf32, #tpu.memory_space<vmem_shared>>
      tpu.enqueue_dma source(%dma_start3A_55 : memref<160x64xf32, #tpu.memory_space<vmem_shared>>) target(%dma_start3A_53 : memref<160x64xf32, #tpu.memory_space<vmem>>) target_semaphore(%run_scoped3A : memref<!tpu.dma_semaphore, #tpu.memory_space<semaphore_mem>>)
      %dma_wait3A = arith.constant 0 : i32
      %dma_wait3A_56 = arith.constant 0 : i32
      %dma_wait3A_57 = tpu.memref_slice %arg9[%dma_wait3A, %dma_wait3A_56] : memref<256x64xf32, #tpu.memory_space<vmem>> -> memref<160x64xf32, #tpu.memory_space<vmem>>
      %dma_wait3A_58 = arith.constant 0 : i32
      %dma_wait3A_59 = tpu.memref_slice %arg10[%add3A_22, %dma_wait3A_58] : memref<10240x64xf32, #tpu.memory_space<vmem_shared>> -> memref<160x64xf32, #tpu.memory_space<vmem_shared>>
      %dma_wait3A_60 = arith.constant 0 : i32
      %dma_wait3A_61 = arith.constant 0 : i32
      %dma_wait3A_62 = tpu.memref_slice %arg9[%dma_wait3A_60, %dma_wait3A_61] : memref<256x64xf32, #tpu.memory_space<vmem>> -> memref<160x64xf32, #tpu.memory_space<vmem>>
      %dma_wait3A_63 = arith.constant 0 : i32
      %dma_wait3A_64 = tpu.memref_slice %arg10[%add3A_22, %dma_wait3A_63] : memref<10240x64xf32, #tpu.memory_space<vmem_shared>> -> memref<160x64xf32, #tpu.memory_space<vmem_shared>>
      tpu.wait_dma2 semaphore(%run_scoped3A : memref<!tpu.dma_semaphore, #tpu.memory_space<semaphore_mem>>) src(%dma_wait3A_64 : memref<160x64xf32, #tpu.memory_space<vmem_shared>>) dst(%dma_wait3A_62 : memref<160x64xf32, #tpu.memory_space<vmem>>)
      tpu.yield
    }) : () -> ()
    %mul3A_23 = arith.constant 10240 : i32
    %mul3A_24 = arith.muli %arg0, %mul3A_23 : i32
    %add3A_25 = arith.addi %mul3A_24, %add3A_22 : i32
    "tpu.region"() ({
      %run_scoped3A = tpu.sem_alloc : memref<!tpu.dma_semaphore, #tpu.memory_space<semaphore_mem>>
      %dma_start3A = arith.constant 0 : i32
      %dma_start3A_47 = arith.constant 0 : i32
      %dma_start3A_48 = tpu.memref_slice %arg9[%dma_start3A, %dma_start3A_47] : memref<256x64xf32, #tpu.memory_space<vmem>> -> memref<160x64xf32, #tpu.memory_space<vmem>>
      %dma_start3A_49 = arith.constant 0 : i32
      %dma_start3A_50 = tpu.memref_slice %arg6[%add3A_25, %dma_start3A_49] : memref<20480x64xf32, #tpu.memory_space<hbm>> -> memref<160x64xf32, #tpu.memory_space<hbm>>
      %dma_start3A_51 = arith.constant 0 : i32
      %dma_start3A_52 = tpu.memref_slice %arg6[%add3A_25, %dma_start3A_51] : memref<20480x64xf32, #tpu.memory_space<hbm>> -> memref<160x64xf32, #tpu.memory_space<hbm>>
      %dma_start3A_53 = arith.constant 0 : i32
      %dma_start3A_54 = arith.constant 0 : i32
      %dma_start3A_55 = tpu.memref_slice %arg9[%dma_start3A_53, %dma_start3A_54] : memref<256x64xf32, #tpu.memory_space<vmem>> -> memref<160x64xf32, #tpu.memory_space<vmem>>
      tpu.enqueue_dma source(%dma_start3A_55 : memref<160x64xf32, #tpu.memory_space<vmem>>) target(%dma_start3A_52 : memref<160x64xf32, #tpu.memory_space<hbm>>) target_semaphore(%run_scoped3A : memref<!tpu.dma_semaphore, #tpu.memory_space<semaphore_mem>>)
      %dma_wait3A = arith.constant 0 : i32
      %dma_wait3A_56 = arith.constant 0 : i32
      %dma_wait3A_57 = tpu.memref_slice %arg9[%dma_wait3A, %dma_wait3A_56] : memref<256x64xf32, #tpu.memory_space<vmem>> -> memref<160x64xf32, #tpu.memory_space<vmem>>
      %dma_wait3A_58 = arith.constant 0 : i32
      %dma_wait3A_59 = tpu.memref_slice %arg6[%add3A_25, %dma_wait3A_58] : memref<20480x64xf32, #tpu.memory_space<hbm>> -> memref<160x64xf32, #tpu.memory_space<hbm>>
      %dma_wait3A_60 = arith.constant 0 : i32
      %dma_wait3A_61 = tpu.memref_slice %arg6[%add3A_25, %dma_wait3A_60] : memref<20480x64xf32, #tpu.memory_space<hbm>> -> memref<160x64xf32, #tpu.memory_space<hbm>>
      %dma_wait3A_62 = arith.constant 0 : i32
      %dma_wait3A_63 = arith.constant 0 : i32
      %dma_wait3A_64 = tpu.memref_slice %arg9[%dma_wait3A_62, %dma_wait3A_63] : memref<256x64xf32, #tpu.memory_space<vmem>> -> memref<160x64xf32, #tpu.memory_space<vmem>>
      tpu.wait_dma2 semaphore(%run_scoped3A : memref<!tpu.dma_semaphore, #tpu.memory_space<semaphore_mem>>) src(%dma_wait3A_64 : memref<160x64xf32, #tpu.memory_space<vmem>>) dst(%dma_wait3A_61 : memref<160x64xf32, #tpu.memory_space<hbm>>)
      tpu.yield
    }) : () -> ()
    %mul3A_26 = arith.constant 640 : i32
    %mul3A_27 = arith.muli %arg1, %mul3A_26 : i32
    %add3A_28 = arith.constant 160 : i32
    %add3A_29 = arith.addi %mul3A_27, %add3A_28 : i32
    "tpu.region"() ({
      %run_scoped3A = tpu.sem_alloc : memref<!tpu.dma_semaphore, #tpu.memory_space<semaphore_mem>>
      %dma_start3A = arith.constant 0 : i32
      %dma_start3A_47 = arith.constant 0 : i32
      %dma_start3A_48 = tpu.memref_slice %arg9[%dma_start3A, %dma_start3A_47] : memref<256x64xf32, #tpu.memory_space<vmem>> -> memref<160x64xf32, #tpu.memory_space<vmem>>
      %dma_start3A_49 = arith.constant 0 : i32
      %dma_start3A_50 = tpu.memref_slice %arg10[%add3A_29, %dma_start3A_49] : memref<10240x64xf32, #tpu.memory_space<vmem_shared>> -> memref<160x64xf32, #tpu.memory_space<vmem_shared>>
      %dma_start3A_51 = arith.constant 0 : i32
      %dma_start3A_52 = arith.constant 0 : i32
      %dma_start3A_53 = tpu.memref_slice %arg9[%dma_start3A_51, %dma_start3A_52] : memref<256x64xf32, #tpu.memory_space<vmem>> -> memref<160x64xf32, #tpu.memory_space<vmem>>
      %dma_start3A_54 = arith.constant 0 : i32
      %dma_start3A_55 = tpu.memref_slice %arg10[%add3A_29, %dma_start3A_54] : memref<10240x64xf32, #tpu.memory_space<vmem_shared>> -> memref<160x64xf32, #tpu.memory_space<vmem_shared>>
      tpu.enqueue_dma source(%dma_start3A_55 : memref<160x64xf32, #tpu.memory_space<vmem_shared>>) target(%dma_start3A_53 : memref<160x64xf32, #tpu.memory_space<vmem>>) target_semaphore(%run_scoped3A : memref<!tpu.dma_semaphore, #tpu.memory_space<semaphore_mem>>)
      %dma_wait3A = arith.constant 0 : i32
      %dma_wait3A_56 = arith.constant 0 : i32
      %dma_wait3A_57 = tpu.memref_slice %arg9[%dma_wait3A, %dma_wait3A_56] : memref<256x64xf32, #tpu.memory_space<vmem>> -> memref<160x64xf32, #tpu.memory_space<vmem>>
      %dma_wait3A_58 = arith.constant 0 : i32
      %dma_wait3A_59 = tpu.memref_slice %arg10[%add3A_29, %dma_wait3A_58] : memref<10240x64xf32, #tpu.memory_space<vmem_shared>> -> memref<160x64xf32, #tpu.memory_space<vmem_shared>>
      %dma_wait3A_60 = arith.constant 0 : i32
      %dma_wait3A_61 = arith.constant 0 : i32
      %dma_wait3A_62 = tpu.memref_slice %arg9[%dma_wait3A_60, %dma_wait3A_61] : memref<256x64xf32, #tpu.memory_space<vmem>> -> memref<160x64xf32, #tpu.memory_space<vmem>>
      %dma_wait3A_63 = arith.constant 0 : i32
      %dma_wait3A_64 = tpu.memref_slice %arg10[%add3A_29, %dma_wait3A_63] : memref<10240x64xf32, #tpu.memory_space<vmem_shared>> -> memref<160x64xf32, #tpu.memory_space<vmem_shared>>
      tpu.wait_dma2 semaphore(%run_scoped3A : memref<!tpu.dma_semaphore, #tpu.memory_space<semaphore_mem>>) src(%dma_wait3A_64 : memref<160x64xf32, #tpu.memory_space<vmem_shared>>) dst(%dma_wait3A_62 : memref<160x64xf32, #tpu.memory_space<vmem>>)
      tpu.yield
    }) : () -> ()
    %mul3A_30 = arith.constant 10240 : i32
    %mul3A_31 = arith.muli %arg0, %mul3A_30 : i32
    %add3A_32 = arith.addi %mul3A_31, %add3A_29 : i32
    "tpu.region"() ({
      %run_scoped3A = tpu.sem_alloc : memref<!tpu.dma_semaphore, #tpu.memory_space<semaphore_mem>>
      %dma_start3A = arith.constant 0 : i32
      %dma_start3A_47 = arith.constant 0 : i32
      %dma_start3A_48 = tpu.memref_slice %arg9[%dma_start3A, %dma_start3A_47] : memref<256x64xf32, #tpu.memory_space<vmem>> -> memref<160x64xf32, #tpu.memory_space<vmem>>
      %dma_start3A_49 = arith.constant 0 : i32
      %dma_start3A_50 = tpu.memref_slice %arg6[%add3A_32, %dma_start3A_49] : memref<20480x64xf32, #tpu.memory_space<hbm>> -> memref<160x64xf32, #tpu.memory_space<hbm>>
      %dma_start3A_51 = arith.constant 0 : i32
      %dma_start3A_52 = tpu.memref_slice %arg6[%add3A_32, %dma_start3A_51] : memref<20480x64xf32, #tpu.memory_space<hbm>> -> memref<160x64xf32, #tpu.memory_space<hbm>>
      %dma_start3A_53 = arith.constant 0 : i32
      %dma_start3A_54 = arith.constant 0 : i32
      %dma_start3A_55 = tpu.memref_slice %arg9[%dma_start3A_53, %dma_start3A_54] : memref<256x64xf32, #tpu.memory_space<vmem>> -> memref<160x64xf32, #tpu.memory_space<vmem>>
      tpu.enqueue_dma source(%dma_start3A_55 : memref<160x64xf32, #tpu.memory_space<vmem>>) target(%dma_start3A_52 : memref<160x64xf32, #tpu.memory_space<hbm>>) target_semaphore(%run_scoped3A : memref<!tpu.dma_semaphore, #tpu.memory_space<semaphore_mem>>)
      %dma_wait3A = arith.constant 0 : i32
      %dma_wait3A_56 = arith.constant 0 : i32
      %dma_wait3A_57 = tpu.memref_slice %arg9[%dma_wait3A, %dma_wait3A_56] : memref<256x64xf32, #tpu.memory_space<vmem>> -> memref<160x64xf32, #tpu.memory_space<vmem>>
      %dma_wait3A_58 = arith.constant 0 : i32
      %dma_wait3A_59 = tpu.memref_slice %arg6[%add3A_32, %dma_wait3A_58] : memref<20480x64xf32, #tpu.memory_space<hbm>> -> memref<160x64xf32, #tpu.memory_space<hbm>>
      %dma_wait3A_60 = arith.constant 0 : i32
      %dma_wait3A_61 = tpu.memref_slice %arg6[%add3A_32, %dma_wait3A_60] : memref<20480x64xf32, #tpu.memory_space<hbm>> -> memref<160x64xf32, #tpu.memory_space<hbm>>
      %dma_wait3A_62 = arith.constant 0 : i32
      %dma_wait3A_63 = arith.constant 0 : i32
      %dma_wait3A_64 = tpu.memref_slice %arg9[%dma_wait3A_62, %dma_wait3A_63] : memref<256x64xf32, #tpu.memory_space<vmem>> -> memref<160x64xf32, #tpu.memory_space<vmem>>
      tpu.wait_dma2 semaphore(%run_scoped3A : memref<!tpu.dma_semaphore, #tpu.memory_space<semaphore_mem>>) src(%dma_wait3A_64 : memref<160x64xf32, #tpu.memory_space<vmem>>) dst(%dma_wait3A_61 : memref<160x64xf32, #tpu.memory_space<hbm>>)
      tpu.yield
    }) : () -> ()
    %mul3A_33 = arith.constant 640 : i32
    %mul3A_34 = arith.muli %arg1, %mul3A_33 : i32
    %add3A_35 = arith.constant 320 : i32
    %add3A_36 = arith.addi %mul3A_34, %add3A_35 : i32
    "tpu.region"() ({
      %run_scoped3A = tpu.sem_alloc : memref<!tpu.dma_semaphore, #tpu.memory_space<semaphore_mem>>
      %dma_start3A = arith.constant 0 : i32
      %dma_start3A_47 = arith.constant 0 : i32
      %dma_start3A_48 = tpu.memref_slice %arg9[%dma_start3A, %dma_start3A_47] : memref<256x64xf32, #tpu.memory_space<vmem>> -> memref<160x64xf32, #tpu.memory_space<vmem>>
      %dma_start3A_49 = arith.constant 0 : i32
      %dma_start3A_50 = tpu.memref_slice %arg10[%add3A_36, %dma_start3A_49] : memref<10240x64xf32, #tpu.memory_space<vmem_shared>> -> memref<160x64xf32, #tpu.memory_space<vmem_shared>>
      %dma_start3A_51 = arith.constant 0 : i32
      %dma_start3A_52 = arith.constant 0 : i32
      %dma_start3A_53 = tpu.memref_slice %arg9[%dma_start3A_51, %dma_start3A_52] : memref<256x64xf32, #tpu.memory_space<vmem>> -> memref<160x64xf32, #tpu.memory_space<vmem>>
      %dma_start3A_54 = arith.constant 0 : i32
      %dma_start3A_55 = tpu.memref_slice %arg10[%add3A_36, %dma_start3A_54] : memref<10240x64xf32, #tpu.memory_space<vmem_shared>> -> memref<160x64xf32, #tpu.memory_space<vmem_shared>>
      tpu.enqueue_dma source(%dma_start3A_55 : memref<160x64xf32, #tpu.memory_space<vmem_shared>>) target(%dma_start3A_53 : memref<160x64xf32, #tpu.memory_space<vmem>>) target_semaphore(%run_scoped3A : memref<!tpu.dma_semaphore, #tpu.memory_space<semaphore_mem>>)
      %dma_wait3A = arith.constant 0 : i32
      %dma_wait3A_56 = arith.constant 0 : i32
      %dma_wait3A_57 = tpu.memref_slice %arg9[%dma_wait3A, %dma_wait3A_56] : memref<256x64xf32, #tpu.memory_space<vmem>> -> memref<160x64xf32, #tpu.memory_space<vmem>>
      %dma_wait3A_58 = arith.constant 0 : i32
      %dma_wait3A_59 = tpu.memref_slice %arg10[%add3A_36, %dma_wait3A_58] : memref<10240x64xf32, #tpu.memory_space<vmem_shared>> -> memref<160x64xf32, #tpu.memory_space<vmem_shared>>
      %dma_wait3A_60 = arith.constant 0 : i32
      %dma_wait3A_61 = arith.constant 0 : i32
      %dma_wait3A_62 = tpu.memref_slice %arg9[%dma_wait3A_60, %dma_wait3A_61] : memref<256x64xf32, #tpu.memory_space<vmem>> -> memref<160x64xf32, #tpu.memory_space<vmem>>
      %dma_wait3A_63 = arith.constant 0 : i32
      %dma_wait3A_64 = tpu.memref_slice %arg10[%add3A_36, %dma_wait3A_63] : memref<10240x64xf32, #tpu.memory_space<vmem_shared>> -> memref<160x64xf32, #tpu.memory_space<vmem_shared>>
      tpu.wait_dma2 semaphore(%run_scoped3A : memref<!tpu.dma_semaphore, #tpu.memory_space<semaphore_mem>>) src(%dma_wait3A_64 : memref<160x64xf32, #tpu.memory_space<vmem_shared>>) dst(%dma_wait3A_62 : memref<160x64xf32, #tpu.memory_space<vmem>>)
      tpu.yield
    }) : () -> ()
    %mul3A_37 = arith.constant 10240 : i32
    %mul3A_38 = arith.muli %arg0, %mul3A_37 : i32
    %add3A_39 = arith.addi %mul3A_38, %add3A_36 : i32
    "tpu.region"() ({
      %run_scoped3A = tpu.sem_alloc : memref<!tpu.dma_semaphore, #tpu.memory_space<semaphore_mem>>
      %dma_start3A = arith.constant 0 : i32
      %dma_start3A_47 = arith.constant 0 : i32
      %dma_start3A_48 = tpu.memref_slice %arg9[%dma_start3A, %dma_start3A_47] : memref<256x64xf32, #tpu.memory_space<vmem>> -> memref<160x64xf32, #tpu.memory_space<vmem>>
      %dma_start3A_49 = arith.constant 0 : i32
      %dma_start3A_50 = tpu.memref_slice %arg6[%add3A_39, %dma_start3A_49] : memref<20480x64xf32, #tpu.memory_space<hbm>> -> memref<160x64xf32, #tpu.memory_space<hbm>>
      %dma_start3A_51 = arith.constant 0 : i32
      %dma_start3A_52 = tpu.memref_slice %arg6[%add3A_39, %dma_start3A_51] : memref<20480x64xf32, #tpu.memory_space<hbm>> -> memref<160x64xf32, #tpu.memory_space<hbm>>
      %dma_start3A_53 = arith.constant 0 : i32
      %dma_start3A_54 = arith.constant 0 : i32
      %dma_start3A_55 = tpu.memref_slice %arg9[%dma_start3A_53, %dma_start3A_54] : memref<256x64xf32, #tpu.memory_space<vmem>> -> memref<160x64xf32, #tpu.memory_space<vmem>>
      tpu.enqueue_dma source(%dma_start3A_55 : memref<160x64xf32, #tpu.memory_space<vmem>>) target(%dma_start3A_52 : memref<160x64xf32, #tpu.memory_space<hbm>>) target_semaphore(%run_scoped3A : memref<!tpu.dma_semaphore, #tpu.memory_space<semaphore_mem>>)
      %dma_wait3A = arith.constant 0 : i32
      %dma_wait3A_56 = arith.constant 0 : i32
      %dma_wait3A_57 = tpu.memref_slice %arg9[%dma_wait3A, %dma_wait3A_56] : memref<256x64xf32, #tpu.memory_space<vmem>> -> memref<160x64xf32, #tpu.memory_space<vmem>>
      %dma_wait3A_58 = arith.constant 0 : i32
      %dma_wait3A_59 = tpu.memref_slice %arg6[%add3A_39, %dma_wait3A_58] : memref<20480x64xf32, #tpu.memory_space<hbm>> -> memref<160x64xf32, #tpu.memory_space<hbm>>
      %dma_wait3A_60 = arith.constant 0 : i32
      %dma_wait3A_61 = tpu.memref_slice %arg6[%add3A_39, %dma_wait3A_60] : memref<20480x64xf32, #tpu.memory_space<hbm>> -> memref<160x64xf32, #tpu.memory_space<hbm>>
      %dma_wait3A_62 = arith.constant 0 : i32
      %dma_wait3A_63 = arith.constant 0 : i32
      %dma_wait3A_64 = tpu.memref_slice %arg9[%dma_wait3A_62, %dma_wait3A_63] : memref<256x64xf32, #tpu.memory_space<vmem>> -> memref<160x64xf32, #tpu.memory_space<vmem>>
      tpu.wait_dma2 semaphore(%run_scoped3A : memref<!tpu.dma_semaphore, #tpu.memory_space<semaphore_mem>>) src(%dma_wait3A_64 : memref<160x64xf32, #tpu.memory_space<vmem>>) dst(%dma_wait3A_61 : memref<160x64xf32, #tpu.memory_space<hbm>>)
      tpu.yield
    }) : () -> ()
    %mul3A_40 = arith.constant 640 : i32
    %mul3A_41 = arith.muli %arg1, %mul3A_40 : i32
    %add3A_42 = arith.constant 480 : i32
    %add3A_43 = arith.addi %mul3A_41, %add3A_42 : i32
    "tpu.region"() ({
      %run_scoped3A = tpu.sem_alloc : memref<!tpu.dma_semaphore, #tpu.memory_space<semaphore_mem>>
      %dma_start3A = arith.constant 0 : i32
      %dma_start3A_47 = arith.constant 0 : i32
      %dma_start3A_48 = tpu.memref_slice %arg9[%dma_start3A, %dma_start3A_47] : memref<256x64xf32, #tpu.memory_space<vmem>> -> memref<160x64xf32, #tpu.memory_space<vmem>>
      %dma_start3A_49 = arith.constant 0 : i32
      %dma_start3A_50 = tpu.memref_slice %arg10[%add3A_43, %dma_start3A_49] : memref<10240x64xf32, #tpu.memory_space<vmem_shared>> -> memref<160x64xf32, #tpu.memory_space<vmem_shared>>
      %dma_start3A_51 = arith.constant 0 : i32
      %dma_start3A_52 = arith.constant 0 : i32
      %dma_start3A_53 = tpu.memref_slice %arg9[%dma_start3A_51, %dma_start3A_52] : memref<256x64xf32, #tpu.memory_space<vmem>> -> memref<160x64xf32, #tpu.memory_space<vmem>>
      %dma_start3A_54 = arith.constant 0 : i32
      %dma_start3A_55 = tpu.memref_slice %arg10[%add3A_43, %dma_start3A_54] : memref<10240x64xf32, #tpu.memory_space<vmem_shared>> -> memref<160x64xf32, #tpu.memory_space<vmem_shared>>
      tpu.enqueue_dma source(%dma_start3A_55 : memref<160x64xf32, #tpu.memory_space<vmem_shared>>) target(%dma_start3A_53 : memref<160x64xf32, #tpu.memory_space<vmem>>) target_semaphore(%run_scoped3A : memref<!tpu.dma_semaphore, #tpu.memory_space<semaphore_mem>>)
      %dma_wait3A = arith.constant 0 : i32
      %dma_wait3A_56 = arith.constant 0 : i32
      %dma_wait3A_57 = tpu.memref_slice %arg9[%dma_wait3A, %dma_wait3A_56] : memref<256x64xf32, #tpu.memory_space<vmem>> -> memref<160x64xf32, #tpu.memory_space<vmem>>
      %dma_wait3A_58 = arith.constant 0 : i32
      %dma_wait3A_59 = tpu.memref_slice %arg10[%add3A_43, %dma_wait3A_58] : memref<10240x64xf32, #tpu.memory_space<vmem_shared>> -> memref<160x64xf32, #tpu.memory_space<vmem_shared>>
      %dma_wait3A_60 = arith.constant 0 : i32
      %dma_wait3A_61 = arith.constant 0 : i32
      %dma_wait3A_62 = tpu.memref_slice %arg9[%dma_wait3A_60, %dma_wait3A_61] : memref<256x64xf32, #tpu.memory_space<vmem>> -> memref<160x64xf32, #tpu.memory_space<vmem>>
      %dma_wait3A_63 = arith.constant 0 : i32
      %dma_wait3A_64 = tpu.memref_slice %arg10[%add3A_43, %dma_wait3A_63] : memref<10240x64xf32, #tpu.memory_space<vmem_shared>> -> memref<160x64xf32, #tpu.memory_space<vmem_shared>>
      tpu.wait_dma2 semaphore(%run_scoped3A : memref<!tpu.dma_semaphore, #tpu.memory_space<semaphore_mem>>) src(%dma_wait3A_64 : memref<160x64xf32, #tpu.memory_space<vmem_shared>>) dst(%dma_wait3A_62 : memref<160x64xf32, #tpu.memory_space<vmem>>)
      tpu.yield
    }) : () -> ()
    %mul3A_44 = arith.constant 10240 : i32
    %mul3A_45 = arith.muli %arg0, %mul3A_44 : i32
    %add3A_46 = arith.addi %mul3A_45, %add3A_43 : i32
    "tpu.region"() ({
      %run_scoped3A = tpu.sem_alloc : memref<!tpu.dma_semaphore, #tpu.memory_space<semaphore_mem>>
      %dma_start3A = arith.constant 0 : i32
      %dma_start3A_47 = arith.constant 0 : i32
      %dma_start3A_48 = tpu.memref_slice %arg9[%dma_start3A, %dma_start3A_47] : memref<256x64xf32, #tpu.memory_space<vmem>> -> memref<160x64xf32, #tpu.memory_space<vmem>>
      %dma_start3A_49 = arith.constant 0 : i32
      %dma_start3A_50 = tpu.memref_slice %arg6[%add3A_46, %dma_start3A_49] : memref<20480x64xf32, #tpu.memory_space<hbm>> -> memref<160x64xf32, #tpu.memory_space<hbm>>
      %dma_start3A_51 = arith.constant 0 : i32
      %dma_start3A_52 = tpu.memref_slice %arg6[%add3A_46, %dma_start3A_51] : memref<20480x64xf32, #tpu.memory_space<hbm>> -> memref<160x64xf32, #tpu.memory_space<hbm>>
      %dma_start3A_53 = arith.constant 0 : i32
      %dma_start3A_54 = arith.constant 0 : i32
      %dma_start3A_55 = tpu.memref_slice %arg9[%dma_start3A_53, %dma_start3A_54] : memref<256x64xf32, #tpu.memory_space<vmem>> -> memref<160x64xf32, #tpu.memory_space<vmem>>
      tpu.enqueue_dma source(%dma_start3A_55 : memref<160x64xf32, #tpu.memory_space<vmem>>) target(%dma_start3A_52 : memref<160x64xf32, #tpu.memory_space<hbm>>) target_semaphore(%run_scoped3A : memref<!tpu.dma_semaphore, #tpu.memory_space<semaphore_mem>>)
      %dma_wait3A = arith.constant 0 : i32
      %dma_wait3A_56 = arith.constant 0 : i32
      %dma_wait3A_57 = tpu.memref_slice %arg9[%dma_wait3A, %dma_wait3A_56] : memref<256x64xf32, #tpu.memory_space<vmem>> -> memref<160x64xf32, #tpu.memory_space<vmem>>
      %dma_wait3A_58 = arith.constant 0 : i32
      %dma_wait3A_59 = tpu.memref_slice %arg6[%add3A_46, %dma_wait3A_58] : memref<20480x64xf32, #tpu.memory_space<hbm>> -> memref<160x64xf32, #tpu.memory_space<hbm>>
      %dma_wait3A_60 = arith.constant 0 : i32
      %dma_wait3A_61 = tpu.memref_slice %arg6[%add3A_46, %dma_wait3A_60] : memref<20480x64xf32, #tpu.memory_space<hbm>> -> memref<160x64xf32, #tpu.memory_space<hbm>>
      %dma_wait3A_62 = arith.constant 0 : i32
      %dma_wait3A_63 = arith.constant 0 : i32
      %dma_wait3A_64 = tpu.memref_slice %arg9[%dma_wait3A_62, %dma_wait3A_63] : memref<256x64xf32, #tpu.memory_space<vmem>> -> memref<160x64xf32, #tpu.memory_space<vmem>>
      tpu.wait_dma2 semaphore(%run_scoped3A : memref<!tpu.dma_semaphore, #tpu.memory_space<semaphore_mem>>) src(%dma_wait3A_64 : memref<160x64xf32, #tpu.memory_space<vmem>>) dst(%dma_wait3A_61 : memref<160x64xf32, #tpu.memory_space<hbm>>)
      tpu.yield
    }) : () -> ()
    return
  }
}

#map = affine_map<(d0, d1) -> (0, 0, 0)>
#map1 = affine_map<(d0, d1) -> (0, 0)>
module attributes {stable_mosaic.version = 14 : i64} {
  func.func @_sc_deg_body(%arg0: i32, %arg1: i32, %arg2: memref<32x40x256xi32, #tpu.memory_space<hbm>>, %arg3: memref<256x16xf32, #tpu.memory_space<hbm>>, %arg4: memref<640x16xf32, #tpu.memory_space<hbm>>, %arg5: memref<20480x16xf32, #tpu.memory_space<hbm>>, %arg6: memref<40x256xi32, #tpu.memory_space<vmem>>, %arg7: memref<256x16xf32, #tpu.memory_space<vmem>>, %arg8: memref<640x16xf32, #tpu.memory_space<vmem>>, %arg9: memref<10240x16xf32, #tpu.memory_space<vmem_shared>>) attributes {dimension_semantics = [#tpu.dimension_semantics<core_parallel>, #tpu.dimension_semantics<subcore_parallel>], iteration_bounds = array<i64: 2, 16>, scalar_prefetch = 0 : i64, scratch_operands = 4 : i64, tpu.core_type = #tpu.core_type<sc_vector_subcore>, window_params = [{transform_indices = #map}, {transform_indices = #map1}, {transform_indices = #map1}, {transform_indices = #map1}]} {
    %mul3A = arith.constant 16 : i32
    %mul3A_0 = arith.muli %arg0, %mul3A : i32
    %add3A = arith.addi %mul3A_0, %arg1 : i32
    "tpu.region"() ({
      %run_scoped3A = tpu.sem_alloc : memref<!tpu.dma_semaphore, #tpu.memory_space<semaphore_mem>>
      %dma_start3A = arith.constant 0 : i32
      %dma_start3A_15 = arith.constant 0 : i32
      %dma_start3A_16 = tpu.memref_slice %arg2[%add3A, %dma_start3A, %dma_start3A_15] : memref<32x40x256xi32, #tpu.memory_space<hbm>> -> memref<1x40x256xi32, #tpu.memory_space<hbm>>
      %dma_start3A_17 = tpu.memref_squeeze %dma_start3A_16 : memref<1x40x256xi32, #tpu.memory_space<hbm>> -> memref<40x256xi32, #tpu.memory_space<hbm>>
      %dma_start3A_18 = arith.constant 0 : i32
      %dma_start3A_19 = arith.constant 0 : i32
      %dma_start3A_20 = tpu.memref_slice %arg2[%add3A, %dma_start3A_18, %dma_start3A_19] : memref<32x40x256xi32, #tpu.memory_space<hbm>> -> memref<1x40x256xi32, #tpu.memory_space<hbm>>
      %dma_start3A_21 = tpu.memref_squeeze %dma_start3A_20 : memref<1x40x256xi32, #tpu.memory_space<hbm>> -> memref<40x256xi32, #tpu.memory_space<hbm>>
      tpu.enqueue_dma source(%dma_start3A_21 : memref<40x256xi32, #tpu.memory_space<hbm>>) target(%arg6 : memref<40x256xi32, #tpu.memory_space<vmem>>) target_semaphore(%run_scoped3A : memref<!tpu.dma_semaphore, #tpu.memory_space<semaphore_mem>>)
      %dma_wait3A = arith.constant 0 : i32
      %dma_wait3A_22 = arith.constant 0 : i32
      %dma_wait3A_23 = tpu.memref_slice %arg2[%add3A, %dma_wait3A, %dma_wait3A_22] : memref<32x40x256xi32, #tpu.memory_space<hbm>> -> memref<1x40x256xi32, #tpu.memory_space<hbm>>
      %dma_wait3A_24 = tpu.memref_squeeze %dma_wait3A_23 : memref<1x40x256xi32, #tpu.memory_space<hbm>> -> memref<40x256xi32, #tpu.memory_space<hbm>>
      %dma_wait3A_25 = arith.constant 0 : i32
      %dma_wait3A_26 = arith.constant 0 : i32
      %dma_wait3A_27 = tpu.memref_slice %arg2[%add3A, %dma_wait3A_25, %dma_wait3A_26] : memref<32x40x256xi32, #tpu.memory_space<hbm>> -> memref<1x40x256xi32, #tpu.memory_space<hbm>>
      %dma_wait3A_28 = tpu.memref_squeeze %dma_wait3A_27 : memref<1x40x256xi32, #tpu.memory_space<hbm>> -> memref<40x256xi32, #tpu.memory_space<hbm>>
      tpu.wait_dma2 semaphore(%run_scoped3A : memref<!tpu.dma_semaphore, #tpu.memory_space<semaphore_mem>>) src(%dma_wait3A_28 : memref<40x256xi32, #tpu.memory_space<hbm>>) dst(%arg6 : memref<40x256xi32, #tpu.memory_space<vmem>>)
      tpu.yield
    }) : () -> ()
    "tpu.region"() ({
      %run_scoped3A = tpu.sem_alloc : memref<!tpu.dma_semaphore, #tpu.memory_space<semaphore_mem>>
      tpu.enqueue_dma source(%arg3 : memref<256x16xf32, #tpu.memory_space<hbm>>) target(%arg7 : memref<256x16xf32, #tpu.memory_space<vmem>>) target_semaphore(%run_scoped3A : memref<!tpu.dma_semaphore, #tpu.memory_space<semaphore_mem>>)
      tpu.wait_dma2 semaphore(%run_scoped3A : memref<!tpu.dma_semaphore, #tpu.memory_space<semaphore_mem>>) src(%arg3 : memref<256x16xf32, #tpu.memory_space<hbm>>) dst(%arg7 : memref<256x16xf32, #tpu.memory_space<vmem>>)
      tpu.yield
    }) : () -> ()
    "tpu.region"() ({
      %run_scoped3A = tpu.sem_alloc : memref<!tpu.dma_semaphore, #tpu.memory_space<semaphore_mem>>
      tpu.enqueue_dma source(%arg4 : memref<640x16xf32, #tpu.memory_space<hbm>>) target(%arg8 : memref<640x16xf32, #tpu.memory_space<vmem>>) target_semaphore(%run_scoped3A : memref<!tpu.dma_semaphore, #tpu.memory_space<semaphore_mem>>)
      tpu.wait_dma2 semaphore(%run_scoped3A : memref<!tpu.dma_semaphore, #tpu.memory_space<semaphore_mem>>) src(%arg4 : memref<640x16xf32, #tpu.memory_space<hbm>>) dst(%arg8 : memref<640x16xf32, #tpu.memory_space<vmem>>)
      tpu.yield
    }) : () -> ()
    %mul3A_1 = arith.constant 640 : i32
    %mul3A_2 = arith.muli %arg1, %mul3A_1 : i32
    "tpu.region"() ({
      %run_scoped3A = tpu.sem_alloc : memref<!tpu.dma_semaphore, #tpu.memory_space<semaphore_mem>>
      %dma_start3A = arith.constant 0 : i32
      %dma_start3A_15 = tpu.memref_slice %arg9[%mul3A_2, %dma_start3A] : memref<10240x16xf32, #tpu.memory_space<vmem_shared>> -> memref<640x16xf32, #tpu.memory_space<vmem_shared>>
      %dma_start3A_16 = arith.constant 0 : i32
      %dma_start3A_17 = tpu.memref_slice %arg9[%mul3A_2, %dma_start3A_16] : memref<10240x16xf32, #tpu.memory_space<vmem_shared>> -> memref<640x16xf32, #tpu.memory_space<vmem_shared>>
      tpu.enqueue_dma source(%arg8 : memref<640x16xf32, #tpu.memory_space<vmem>>) target(%dma_start3A_17 : memref<640x16xf32, #tpu.memory_space<vmem_shared>>) target_semaphore(%run_scoped3A : memref<!tpu.dma_semaphore, #tpu.memory_space<semaphore_mem>>)
      %dma_wait3A = arith.constant 0 : i32
      %dma_wait3A_18 = tpu.memref_slice %arg9[%mul3A_2, %dma_wait3A] : memref<10240x16xf32, #tpu.memory_space<vmem_shared>> -> memref<640x16xf32, #tpu.memory_space<vmem_shared>>
      %dma_wait3A_19 = arith.constant 0 : i32
      %dma_wait3A_20 = tpu.memref_slice %arg9[%mul3A_2, %dma_wait3A_19] : memref<10240x16xf32, #tpu.memory_space<vmem_shared>> -> memref<640x16xf32, #tpu.memory_space<vmem_shared>>
      tpu.wait_dma2 semaphore(%run_scoped3A : memref<!tpu.dma_semaphore, #tpu.memory_space<semaphore_mem>>) src(%arg8 : memref<640x16xf32, #tpu.memory_space<vmem>>) dst(%dma_wait3A_20 : memref<640x16xf32, #tpu.memory_space<vmem_shared>>)
      tpu.yield
    }) : () -> ()
    %barrier3A = arith.constant 0 : index
    tpu.barrier barrier_id(%barrier3A)
    %scan3A = arith.constant 0 : i32
    %scan3A_3 = arith.constant 40 : i32
    %scan3A_4 = arith.addi %scan3A, %scan3A_3 : i32
    %scan3A_5 = arith.constant 1 : i32
    scf.for %scan3A_15 = %scan3A to %scan3A_4 step %scan3A_5  : i32 {
      %mul3A_16 = arith.constant 1 : i32
      %mul3A_17 = arith.muli %scan3A_15, %mul3A_16 : i32
      %add3A_18 = arith.constant 0 : i32
      %add3A_19 = arith.addi %add3A_18, %mul3A_17 : i32
      "tpu.region"() ({
        %run_scoped3A = tpu.sem_alloc : memref<!tpu.dma_semaphore, #tpu.memory_space<semaphore_mem>>
        %dma_start3A = arith.constant 0 : i32
        %dma_start3A_20 = tpu.memref_slice %arg6[%add3A_19, %dma_start3A] : memref<40x256xi32, #tpu.memory_space<vmem>> -> memref<1x256xi32, #tpu.memory_space<vmem>>
        %dma_start3A_21 = tpu.memref_squeeze %dma_start3A_20 : memref<1x256xi32, #tpu.memory_space<vmem>> -> memref<256xi32, #tpu.memory_space<vmem>>
        %dma_start3A_22 = arith.constant 0 : i32
        %dma_start3A_23 = arith.constant 0 : i32
        %dma_start3A_24 = tpu.memref_slice %arg9[%dma_start3A_22, %dma_start3A_23] : memref<10240x16xf32, #tpu.memory_space<vmem_shared>> -> memref<10240x16xf32, #tpu.memory_space<vmem_shared>>
        tpu.enqueue_indirect_dma source(%arg7 : memref<256x16xf32, #tpu.memory_space<vmem>>) target(%dma_start3A_24 : memref<10240x16xf32, #tpu.memory_space<vmem_shared>>) offsets(%dma_start3A_21 : memref<256xi32, #tpu.memory_space<vmem>>) semaphore(%run_scoped3A : memref<!tpu.dma_semaphore, #tpu.memory_space<semaphore_mem>>) {add = true}
        %dma_wait3A = arith.constant 0 : i32
        %dma_wait3A_25 = tpu.memref_slice %arg6[%add3A_19, %dma_wait3A] : memref<40x256xi32, #tpu.memory_space<vmem>> -> memref<1x256xi32, #tpu.memory_space<vmem>>
        %dma_wait3A_26 = tpu.memref_squeeze %dma_wait3A_25 : memref<1x256xi32, #tpu.memory_space<vmem>> -> memref<256xi32, #tpu.memory_space<vmem>>
        %dma_wait3A_27 = arith.constant 0 : i32
        %dma_wait3A_28 = arith.constant 0 : i32
        %dma_wait3A_29 = tpu.memref_slice %arg9[%dma_wait3A_27, %dma_wait3A_28] : memref<10240x16xf32, #tpu.memory_space<vmem_shared>> -> memref<10240x16xf32, #tpu.memory_space<vmem_shared>>
        tpu.wait_indirect_dma semaphore(%run_scoped3A : memref<!tpu.dma_semaphore, #tpu.memory_space<semaphore_mem>>) src(%arg7 : memref<256x16xf32, #tpu.memory_space<vmem>>) dst(%dma_wait3A_29 : memref<10240x16xf32, #tpu.memory_space<vmem_shared>>)
        tpu.yield
      }) : () -> ()
    }
    %scan3A_6 = arith.constant 40 : i32
    %barrier3A_7 = arith.constant 0 : index
    tpu.barrier barrier_id(%barrier3A_7)
    %mul3A_8 = arith.constant 640 : i32
    %mul3A_9 = arith.muli %arg1, %mul3A_8 : i32
    "tpu.region"() ({
      %run_scoped3A = tpu.sem_alloc : memref<!tpu.dma_semaphore, #tpu.memory_space<semaphore_mem>>
      %dma_start3A = arith.constant 0 : i32
      %dma_start3A_15 = tpu.memref_slice %arg9[%mul3A_9, %dma_start3A] : memref<10240x16xf32, #tpu.memory_space<vmem_shared>> -> memref<640x16xf32, #tpu.memory_space<vmem_shared>>
      %dma_start3A_16 = arith.constant 0 : i32
      %dma_start3A_17 = tpu.memref_slice %arg9[%mul3A_9, %dma_start3A_16] : memref<10240x16xf32, #tpu.memory_space<vmem_shared>> -> memref<640x16xf32, #tpu.memory_space<vmem_shared>>
      tpu.enqueue_dma source(%dma_start3A_17 : memref<640x16xf32, #tpu.memory_space<vmem_shared>>) target(%arg8 : memref<640x16xf32, #tpu.memory_space<vmem>>) target_semaphore(%run_scoped3A : memref<!tpu.dma_semaphore, #tpu.memory_space<semaphore_mem>>)
      %dma_wait3A = arith.constant 0 : i32
      %dma_wait3A_18 = tpu.memref_slice %arg9[%mul3A_9, %dma_wait3A] : memref<10240x16xf32, #tpu.memory_space<vmem_shared>> -> memref<640x16xf32, #tpu.memory_space<vmem_shared>>
      %dma_wait3A_19 = arith.constant 0 : i32
      %dma_wait3A_20 = tpu.memref_slice %arg9[%mul3A_9, %dma_wait3A_19] : memref<10240x16xf32, #tpu.memory_space<vmem_shared>> -> memref<640x16xf32, #tpu.memory_space<vmem_shared>>
      tpu.wait_dma2 semaphore(%run_scoped3A : memref<!tpu.dma_semaphore, #tpu.memory_space<semaphore_mem>>) src(%dma_wait3A_20 : memref<640x16xf32, #tpu.memory_space<vmem_shared>>) dst(%arg8 : memref<640x16xf32, #tpu.memory_space<vmem>>)
      tpu.yield
    }) : () -> ()
    %mul3A_10 = arith.constant 10240 : i32
    %mul3A_11 = arith.muli %arg0, %mul3A_10 : i32
    %mul3A_12 = arith.constant 640 : i32
    %mul3A_13 = arith.muli %arg1, %mul3A_12 : i32
    %add3A_14 = arith.addi %mul3A_11, %mul3A_13 : i32
    "tpu.region"() ({
      %run_scoped3A = tpu.sem_alloc : memref<!tpu.dma_semaphore, #tpu.memory_space<semaphore_mem>>
      %dma_start3A = arith.constant 0 : i32
      %dma_start3A_15 = tpu.memref_slice %arg5[%add3A_14, %dma_start3A] : memref<20480x16xf32, #tpu.memory_space<hbm>> -> memref<640x16xf32, #tpu.memory_space<hbm>>
      %dma_start3A_16 = arith.constant 0 : i32
      %dma_start3A_17 = tpu.memref_slice %arg5[%add3A_14, %dma_start3A_16] : memref<20480x16xf32, #tpu.memory_space<hbm>> -> memref<640x16xf32, #tpu.memory_space<hbm>>
      tpu.enqueue_dma source(%arg8 : memref<640x16xf32, #tpu.memory_space<vmem>>) target(%dma_start3A_17 : memref<640x16xf32, #tpu.memory_space<hbm>>) target_semaphore(%run_scoped3A : memref<!tpu.dma_semaphore, #tpu.memory_space<semaphore_mem>>)
      %dma_wait3A = arith.constant 0 : i32
      %dma_wait3A_18 = tpu.memref_slice %arg5[%add3A_14, %dma_wait3A] : memref<20480x16xf32, #tpu.memory_space<hbm>> -> memref<640x16xf32, #tpu.memory_space<hbm>>
      %dma_wait3A_19 = arith.constant 0 : i32
      %dma_wait3A_20 = tpu.memref_slice %arg5[%add3A_14, %dma_wait3A_19] : memref<20480x16xf32, #tpu.memory_space<hbm>> -> memref<640x16xf32, #tpu.memory_space<hbm>>
      tpu.wait_dma2 semaphore(%run_scoped3A : memref<!tpu.dma_semaphore, #tpu.memory_space<semaphore_mem>>) src(%arg8 : memref<640x16xf32, #tpu.memory_space<vmem>>) dst(%dma_wait3A_20 : memref<640x16xf32, #tpu.memory_space<hbm>>)
      tpu.yield
    }) : () -> ()
    return
  }
}

#map = affine_map<(d0, d1) -> (0, 0, 0)>
#map1 = affine_map<(d0, d1) -> (0, 0)>
module attributes {stable_mosaic.version = 14 : i64} {
  func.func @_sc_scatter_body(%arg0: i32, %arg1: i32, %arg2: memref<2x10000x64xf32, #tpu.memory_space<hbm>>, %arg3: memref<16x80x256xi32, #tpu.memory_space<hbm>>, %arg4: memref<16x80x256xi32, #tpu.memory_space<hbm>>, %arg5: memref<160x64xf32, #tpu.memory_space<hbm>>, %arg6: memref<20480x64xf32, #tpu.memory_space<hbm>>, %arg7: memref<80x256xi32, #tpu.memory_space<vmem>>, %arg8: memref<80x256xi32, #tpu.memory_space<vmem>>, %arg9: memref<256x64xf32, #tpu.memory_space<vmem>>, %arg10: memref<10240x64xf32, #tpu.memory_space<vmem_shared>>, %arg11: memref<!tpu.dma_semaphore, #tpu.memory_space<semaphore_mem>>) attributes {dimension_semantics = [#tpu.dimension_semantics<core_parallel>, #tpu.dimension_semantics<subcore_parallel>], iteration_bounds = array<i64: 2, 16>, scalar_prefetch = 0 : i64, scratch_operands = 5 : i64, tpu.core_type = #tpu.core_type<sc_vector_subcore>, window_params = [{transform_indices = #map}, {transform_indices = #map}, {transform_indices = #map}, {transform_indices = #map1}, {transform_indices = #map1}]} {
    "tpu.region"() ({
      %run_scoped3A = tpu.sem_alloc : memref<!tpu.dma_semaphore, #tpu.memory_space<semaphore_mem>>
      %dma_start3A = arith.constant 0 : i32
      %dma_start3A_47 = arith.constant 0 : i32
      %dma_start3A_48 = tpu.memref_slice %arg3[%arg1, %dma_start3A, %dma_start3A_47] : memref<16x80x256xi32, #tpu.memory_space<hbm>> -> memref<1x80x256xi32, #tpu.memory_space<hbm>>
      %dma_start3A_49 = tpu.memref_squeeze %dma_start3A_48 : memref<1x80x256xi32, #tpu.memory_space<hbm>> -> memref<80x256xi32, #tpu.memory_space<hbm>>
      %dma_start3A_50 = arith.constant 0 : i32
      %dma_start3A_51 = arith.constant 0 : i32
      %dma_start3A_52 = tpu.memref_slice %arg3[%arg1, %dma_start3A_50, %dma_start3A_51] : memref<16x80x256xi32, #tpu.memory_space<hbm>> -> memref<1x80x256xi32, #tpu.memory_space<hbm>>
      %dma_start3A_53 = tpu.memref_squeeze %dma_start3A_52 : memref<1x80x256xi32, #tpu.memory_space<hbm>> -> memref<80x256xi32, #tpu.memory_space<hbm>>
      tpu.enqueue_dma source(%dma_start3A_53 : memref<80x256xi32, #tpu.memory_space<hbm>>) target(%arg7 : memref<80x256xi32, #tpu.memory_space<vmem>>) target_semaphore(%run_scoped3A : memref<!tpu.dma_semaphore, #tpu.memory_space<semaphore_mem>>)
      %dma_wait3A = arith.constant 0 : i32
      %dma_wait3A_54 = arith.constant 0 : i32
      %dma_wait3A_55 = tpu.memref_slice %arg3[%arg1, %dma_wait3A, %dma_wait3A_54] : memref<16x80x256xi32, #tpu.memory_space<hbm>> -> memref<1x80x256xi32, #tpu.memory_space<hbm>>
      %dma_wait3A_56 = tpu.memref_squeeze %dma_wait3A_55 : memref<1x80x256xi32, #tpu.memory_space<hbm>> -> memref<80x256xi32, #tpu.memory_space<hbm>>
      %dma_wait3A_57 = arith.constant 0 : i32
      %dma_wait3A_58 = arith.constant 0 : i32
      %dma_wait3A_59 = tpu.memref_slice %arg3[%arg1, %dma_wait3A_57, %dma_wait3A_58] : memref<16x80x256xi32, #tpu.memory_space<hbm>> -> memref<1x80x256xi32, #tpu.memory_space<hbm>>
      %dma_wait3A_60 = tpu.memref_squeeze %dma_wait3A_59 : memref<1x80x256xi32, #tpu.memory_space<hbm>> -> memref<80x256xi32, #tpu.memory_space<hbm>>
      tpu.wait_dma2 semaphore(%run_scoped3A : memref<!tpu.dma_semaphore, #tpu.memory_space<semaphore_mem>>) src(%dma_wait3A_60 : memref<80x256xi32, #tpu.memory_space<hbm>>) dst(%arg7 : memref<80x256xi32, #tpu.memory_space<vmem>>)
      tpu.yield
    }) : () -> ()
    "tpu.region"() ({
      %run_scoped3A = tpu.sem_alloc : memref<!tpu.dma_semaphore, #tpu.memory_space<semaphore_mem>>
      %dma_start3A = arith.constant 0 : i32
      %dma_start3A_47 = arith.constant 0 : i32
      %dma_start3A_48 = tpu.memref_slice %arg4[%arg1, %dma_start3A, %dma_start3A_47] : memref<16x80x256xi32, #tpu.memory_space<hbm>> -> memref<1x80x256xi32, #tpu.memory_space<hbm>>
      %dma_start3A_49 = tpu.memref_squeeze %dma_start3A_48 : memref<1x80x256xi32, #tpu.memory_space<hbm>> -> memref<80x256xi32, #tpu.memory_space<hbm>>
      %dma_start3A_50 = arith.constant 0 : i32
      %dma_start3A_51 = arith.constant 0 : i32
      %dma_start3A_52 = tpu.memref_slice %arg4[%arg1, %dma_start3A_50, %dma_start3A_51] : memref<16x80x256xi32, #tpu.memory_space<hbm>> -> memref<1x80x256xi32, #tpu.memory_space<hbm>>
      %dma_start3A_53 = tpu.memref_squeeze %dma_start3A_52 : memref<1x80x256xi32, #tpu.memory_space<hbm>> -> memref<80x256xi32, #tpu.memory_space<hbm>>
      tpu.enqueue_dma source(%dma_start3A_53 : memref<80x256xi32, #tpu.memory_space<hbm>>) target(%arg8 : memref<80x256xi32, #tpu.memory_space<vmem>>) target_semaphore(%run_scoped3A : memref<!tpu.dma_semaphore, #tpu.memory_space<semaphore_mem>>)
      %dma_wait3A = arith.constant 0 : i32
      %dma_wait3A_54 = arith.constant 0 : i32
      %dma_wait3A_55 = tpu.memref_slice %arg4[%arg1, %dma_wait3A, %dma_wait3A_54] : memref<16x80x256xi32, #tpu.memory_space<hbm>> -> memref<1x80x256xi32, #tpu.memory_space<hbm>>
      %dma_wait3A_56 = tpu.memref_squeeze %dma_wait3A_55 : memref<1x80x256xi32, #tpu.memory_space<hbm>> -> memref<80x256xi32, #tpu.memory_space<hbm>>
      %dma_wait3A_57 = arith.constant 0 : i32
      %dma_wait3A_58 = arith.constant 0 : i32
      %dma_wait3A_59 = tpu.memref_slice %arg4[%arg1, %dma_wait3A_57, %dma_wait3A_58] : memref<16x80x256xi32, #tpu.memory_space<hbm>> -> memref<1x80x256xi32, #tpu.memory_space<hbm>>
      %dma_wait3A_60 = tpu.memref_squeeze %dma_wait3A_59 : memref<1x80x256xi32, #tpu.memory_space<hbm>> -> memref<80x256xi32, #tpu.memory_space<hbm>>
      tpu.wait_dma2 semaphore(%run_scoped3A : memref<!tpu.dma_semaphore, #tpu.memory_space<semaphore_mem>>) src(%dma_wait3A_60 : memref<80x256xi32, #tpu.memory_space<hbm>>) dst(%arg8 : memref<80x256xi32, #tpu.memory_space<vmem>>)
      tpu.yield
    }) : () -> ()
    "tpu.region"() ({
      %run_scoped3A = tpu.sem_alloc : memref<!tpu.dma_semaphore, #tpu.memory_space<semaphore_mem>>
      %dma_start3A = arith.constant 0 : i32
      %dma_start3A_47 = arith.constant 0 : i32
      %dma_start3A_48 = tpu.memref_slice %arg9[%dma_start3A, %dma_start3A_47] : memref<256x64xf32, #tpu.memory_space<vmem>> -> memref<160x64xf32, #tpu.memory_space<vmem>>
      %dma_start3A_49 = arith.constant 0 : i32
      %dma_start3A_50 = arith.constant 0 : i32
      %dma_start3A_51 = tpu.memref_slice %arg9[%dma_start3A_49, %dma_start3A_50] : memref<256x64xf32, #tpu.memory_space<vmem>> -> memref<160x64xf32, #tpu.memory_space<vmem>>
      tpu.enqueue_dma source(%arg5 : memref<160x64xf32, #tpu.memory_space<hbm>>) target(%dma_start3A_51 : memref<160x64xf32, #tpu.memory_space<vmem>>) target_semaphore(%run_scoped3A : memref<!tpu.dma_semaphore, #tpu.memory_space<semaphore_mem>>)
      %dma_wait3A = arith.constant 0 : i32
      %dma_wait3A_52 = arith.constant 0 : i32
      %dma_wait3A_53 = tpu.memref_slice %arg9[%dma_wait3A, %dma_wait3A_52] : memref<256x64xf32, #tpu.memory_space<vmem>> -> memref<160x64xf32, #tpu.memory_space<vmem>>
      %dma_wait3A_54 = arith.constant 0 : i32
      %dma_wait3A_55 = arith.constant 0 : i32
      %dma_wait3A_56 = tpu.memref_slice %arg9[%dma_wait3A_54, %dma_wait3A_55] : memref<256x64xf32, #tpu.memory_space<vmem>> -> memref<160x64xf32, #tpu.memory_space<vmem>>
      tpu.wait_dma2 semaphore(%run_scoped3A : memref<!tpu.dma_semaphore, #tpu.memory_space<semaphore_mem>>) src(%arg5 : memref<160x64xf32, #tpu.memory_space<hbm>>) dst(%dma_wait3A_56 : memref<160x64xf32, #tpu.memory_space<vmem>>)
      tpu.yield
    }) : () -> ()
    %mul3A = arith.constant 640 : i32
    %mul3A_0 = arith.muli %arg1, %mul3A : i32
    %add3A = arith.constant 0 : i32
    %add3A_1 = arith.addi %mul3A_0, %add3A : i32
    "tpu.region"() ({
      %run_scoped3A = tpu.sem_alloc : memref<!tpu.dma_semaphore, #tpu.memory_space<semaphore_mem>>
      %dma_start3A = arith.constant 0 : i32
      %dma_start3A_47 = arith.constant 0 : i32
      %dma_start3A_48 = tpu.memref_slice %arg9[%dma_start3A, %dma_start3A_47] : memref<256x64xf32, #tpu.memory_space<vmem>> -> memref<160x64xf32, #tpu.memory_space<vmem>>
      %dma_start3A_49 = arith.constant 0 : i32
      %dma_start3A_50 = tpu.memref_slice %arg10[%add3A_1, %dma_start3A_49] : memref<10240x64xf32, #tpu.memory_space<vmem_shared>> -> memref<160x64xf32, #tpu.memory_space<vmem_shared>>
      %dma_start3A_51 = arith.constant 0 : i32
      %dma_start3A_52 = tpu.memref_slice %arg10[%add3A_1, %dma_start3A_51] : memref<10240x64xf32, #tpu.memory_space<vmem_shared>> -> memref<160x64xf32, #tpu.memory_space<vmem_shared>>
      %dma_start3A_53 = arith.constant 0 : i32
      %dma_start3A_54 = arith.constant 0 : i32
      %dma_start3A_55 = tpu.memref_slice %arg9[%dma_start3A_53, %dma_start3A_54] : memref<256x64xf32, #tpu.memory_space<vmem>> -> memref<160x64xf32, #tpu.memory_space<vmem>>
      tpu.enqueue_dma source(%dma_start3A_55 : memref<160x64xf32, #tpu.memory_space<vmem>>) target(%dma_start3A_52 : memref<160x64xf32, #tpu.memory_space<vmem_shared>>) target_semaphore(%run_scoped3A : memref<!tpu.dma_semaphore, #tpu.memory_space<semaphore_mem>>)
      %dma_wait3A = arith.constant 0 : i32
      %dma_wait3A_56 = arith.constant 0 : i32
      %dma_wait3A_57 = tpu.memref_slice %arg9[%dma_wait3A, %dma_wait3A_56] : memref<256x64xf32, #tpu.memory_space<vmem>> -> memref<160x64xf32, #tpu.memory_space<vmem>>
      %dma_wait3A_58 = arith.constant 0 : i32
      %dma_wait3A_59 = tpu.memref_slice %arg10[%add3A_1, %dma_wait3A_58] : memref<10240x64xf32, #tpu.memory_space<vmem_shared>> -> memref<160x64xf32, #tpu.memory_space<vmem_shared>>
      %dma_wait3A_60 = arith.constant 0 : i32
      %dma_wait3A_61 = tpu.memref_slice %arg10[%add3A_1, %dma_wait3A_60] : memref<10240x64xf32, #tpu.memory_space<vmem_shared>> -> memref<160x64xf32, #tpu.memory_space<vmem_shared>>
      %dma_wait3A_62 = arith.constant 0 : i32
      %dma_wait3A_63 = arith.constant 0 : i32
      %dma_wait3A_64 = tpu.memref_slice %arg9[%dma_wait3A_62, %dma_wait3A_63] : memref<256x64xf32, #tpu.memory_space<vmem>> -> memref<160x64xf32, #tpu.memory_space<vmem>>
      tpu.wait_dma2 semaphore(%run_scoped3A : memref<!tpu.dma_semaphore, #tpu.memory_space<semaphore_mem>>) src(%dma_wait3A_64 : memref<160x64xf32, #tpu.memory_space<vmem>>) dst(%dma_wait3A_61 : memref<160x64xf32, #tpu.memory_space<vmem_shared>>)
      tpu.yield
    }) : () -> ()
    %mul3A_2 = arith.constant 640 : i32
    %mul3A_3 = arith.muli %arg1, %mul3A_2 : i32
    %add3A_4 = arith.constant 160 : i32
    %add3A_5 = arith.addi %mul3A_3, %add3A_4 : i32
    "tpu.region"() ({
      %run_scoped3A = tpu.sem_alloc : memref<!tpu.dma_semaphore, #tpu.memory_space<semaphore_mem>>
      %dma_start3A = arith.constant 0 : i32
      %dma_start3A_47 = arith.constant 0 : i32
      %dma_start3A_48 = tpu.memref_slice %arg9[%dma_start3A, %dma_start3A_47] : memref<256x64xf32, #tpu.memory_space<vmem>> -> memref<160x64xf32, #tpu.memory_space<vmem>>
      %dma_start3A_49 = arith.constant 0 : i32
      %dma_start3A_50 = tpu.memref_slice %arg10[%add3A_5, %dma_start3A_49] : memref<10240x64xf32, #tpu.memory_space<vmem_shared>> -> memref<160x64xf32, #tpu.memory_space<vmem_shared>>
      %dma_start3A_51 = arith.constant 0 : i32
      %dma_start3A_52 = tpu.memref_slice %arg10[%add3A_5, %dma_start3A_51] : memref<10240x64xf32, #tpu.memory_space<vmem_shared>> -> memref<160x64xf32, #tpu.memory_space<vmem_shared>>
      %dma_start3A_53 = arith.constant 0 : i32
      %dma_start3A_54 = arith.constant 0 : i32
      %dma_start3A_55 = tpu.memref_slice %arg9[%dma_start3A_53, %dma_start3A_54] : memref<256x64xf32, #tpu.memory_space<vmem>> -> memref<160x64xf32, #tpu.memory_space<vmem>>
      tpu.enqueue_dma source(%dma_start3A_55 : memref<160x64xf32, #tpu.memory_space<vmem>>) target(%dma_start3A_52 : memref<160x64xf32, #tpu.memory_space<vmem_shared>>) target_semaphore(%run_scoped3A : memref<!tpu.dma_semaphore, #tpu.memory_space<semaphore_mem>>)
      %dma_wait3A = arith.constant 0 : i32
      %dma_wait3A_56 = arith.constant 0 : i32
      %dma_wait3A_57 = tpu.memref_slice %arg9[%dma_wait3A, %dma_wait3A_56] : memref<256x64xf32, #tpu.memory_space<vmem>> -> memref<160x64xf32, #tpu.memory_space<vmem>>
      %dma_wait3A_58 = arith.constant 0 : i32
      %dma_wait3A_59 = tpu.memref_slice %arg10[%add3A_5, %dma_wait3A_58] : memref<10240x64xf32, #tpu.memory_space<vmem_shared>> -> memref<160x64xf32, #tpu.memory_space<vmem_shared>>
      %dma_wait3A_60 = arith.constant 0 : i32
      %dma_wait3A_61 = tpu.memref_slice %arg10[%add3A_5, %dma_wait3A_60] : memref<10240x64xf32, #tpu.memory_space<vmem_shared>> -> memref<160x64xf32, #tpu.memory_space<vmem_shared>>
      %dma_wait3A_62 = arith.constant 0 : i32
      %dma_wait3A_63 = arith.constant 0 : i32
      %dma_wait3A_64 = tpu.memref_slice %arg9[%dma_wait3A_62, %dma_wait3A_63] : memref<256x64xf32, #tpu.memory_space<vmem>> -> memref<160x64xf32, #tpu.memory_space<vmem>>
      tpu.wait_dma2 semaphore(%run_scoped3A : memref<!tpu.dma_semaphore, #tpu.memory_space<semaphore_mem>>) src(%dma_wait3A_64 : memref<160x64xf32, #tpu.memory_space<vmem>>) dst(%dma_wait3A_61 : memref<160x64xf32, #tpu.memory_space<vmem_shared>>)
      tpu.yield
    }) : () -> ()
    %mul3A_6 = arith.constant 640 : i32
    %mul3A_7 = arith.muli %arg1, %mul3A_6 : i32
    %add3A_8 = arith.constant 320 : i32
    %add3A_9 = arith.addi %mul3A_7, %add3A_8 : i32
    "tpu.region"() ({
      %run_scoped3A = tpu.sem_alloc : memref<!tpu.dma_semaphore, #tpu.memory_space<semaphore_mem>>
      %dma_start3A = arith.constant 0 : i32
      %dma_start3A_47 = arith.constant 0 : i32
      %dma_start3A_48 = tpu.memref_slice %arg9[%dma_start3A, %dma_start3A_47] : memref<256x64xf32, #tpu.memory_space<vmem>> -> memref<160x64xf32, #tpu.memory_space<vmem>>
      %dma_start3A_49 = arith.constant 0 : i32
      %dma_start3A_50 = tpu.memref_slice %arg10[%add3A_9, %dma_start3A_49] : memref<10240x64xf32, #tpu.memory_space<vmem_shared>> -> memref<160x64xf32, #tpu.memory_space<vmem_shared>>
      %dma_start3A_51 = arith.constant 0 : i32
      %dma_start3A_52 = tpu.memref_slice %arg10[%add3A_9, %dma_start3A_51] : memref<10240x64xf32, #tpu.memory_space<vmem_shared>> -> memref<160x64xf32, #tpu.memory_space<vmem_shared>>
      %dma_start3A_53 = arith.constant 0 : i32
      %dma_start3A_54 = arith.constant 0 : i32
      %dma_start3A_55 = tpu.memref_slice %arg9[%dma_start3A_53, %dma_start3A_54] : memref<256x64xf32, #tpu.memory_space<vmem>> -> memref<160x64xf32, #tpu.memory_space<vmem>>
      tpu.enqueue_dma source(%dma_start3A_55 : memref<160x64xf32, #tpu.memory_space<vmem>>) target(%dma_start3A_52 : memref<160x64xf32, #tpu.memory_space<vmem_shared>>) target_semaphore(%run_scoped3A : memref<!tpu.dma_semaphore, #tpu.memory_space<semaphore_mem>>)
      %dma_wait3A = arith.constant 0 : i32
      %dma_wait3A_56 = arith.constant 0 : i32
      %dma_wait3A_57 = tpu.memref_slice %arg9[%dma_wait3A, %dma_wait3A_56] : memref<256x64xf32, #tpu.memory_space<vmem>> -> memref<160x64xf32, #tpu.memory_space<vmem>>
      %dma_wait3A_58 = arith.constant 0 : i32
      %dma_wait3A_59 = tpu.memref_slice %arg10[%add3A_9, %dma_wait3A_58] : memref<10240x64xf32, #tpu.memory_space<vmem_shared>> -> memref<160x64xf32, #tpu.memory_space<vmem_shared>>
      %dma_wait3A_60 = arith.constant 0 : i32
      %dma_wait3A_61 = tpu.memref_slice %arg10[%add3A_9, %dma_wait3A_60] : memref<10240x64xf32, #tpu.memory_space<vmem_shared>> -> memref<160x64xf32, #tpu.memory_space<vmem_shared>>
      %dma_wait3A_62 = arith.constant 0 : i32
      %dma_wait3A_63 = arith.constant 0 : i32
      %dma_wait3A_64 = tpu.memref_slice %arg9[%dma_wait3A_62, %dma_wait3A_63] : memref<256x64xf32, #tpu.memory_space<vmem>> -> memref<160x64xf32, #tpu.memory_space<vmem>>
      tpu.wait_dma2 semaphore(%run_scoped3A : memref<!tpu.dma_semaphore, #tpu.memory_space<semaphore_mem>>) src(%dma_wait3A_64 : memref<160x64xf32, #tpu.memory_space<vmem>>) dst(%dma_wait3A_61 : memref<160x64xf32, #tpu.memory_space<vmem_shared>>)
      tpu.yield
    }) : () -> ()
    %mul3A_10 = arith.constant 640 : i32
    %mul3A_11 = arith.muli %arg1, %mul3A_10 : i32
    %add3A_12 = arith.constant 480 : i32
    %add3A_13 = arith.addi %mul3A_11, %add3A_12 : i32
    "tpu.region"() ({
      %run_scoped3A = tpu.sem_alloc : memref<!tpu.dma_semaphore, #tpu.memory_space<semaphore_mem>>
      %dma_start3A = arith.constant 0 : i32
      %dma_start3A_47 = arith.constant 0 : i32
      %dma_start3A_48 = tpu.memref_slice %arg9[%dma_start3A, %dma_start3A_47] : memref<256x64xf32, #tpu.memory_space<vmem>> -> memref<160x64xf32, #tpu.memory_space<vmem>>
      %dma_start3A_49 = arith.constant 0 : i32
      %dma_start3A_50 = tpu.memref_slice %arg10[%add3A_13, %dma_start3A_49] : memref<10240x64xf32, #tpu.memory_space<vmem_shared>> -> memref<160x64xf32, #tpu.memory_space<vmem_shared>>
      %dma_start3A_51 = arith.constant 0 : i32
      %dma_start3A_52 = tpu.memref_slice %arg10[%add3A_13, %dma_start3A_51] : memref<10240x64xf32, #tpu.memory_space<vmem_shared>> -> memref<160x64xf32, #tpu.memory_space<vmem_shared>>
      %dma_start3A_53 = arith.constant 0 : i32
      %dma_start3A_54 = arith.constant 0 : i32
      %dma_start3A_55 = tpu.memref_slice %arg9[%dma_start3A_53, %dma_start3A_54] : memref<256x64xf32, #tpu.memory_space<vmem>> -> memref<160x64xf32, #tpu.memory_space<vmem>>
      tpu.enqueue_dma source(%dma_start3A_55 : memref<160x64xf32, #tpu.memory_space<vmem>>) target(%dma_start3A_52 : memref<160x64xf32, #tpu.memory_space<vmem_shared>>) target_semaphore(%run_scoped3A : memref<!tpu.dma_semaphore, #tpu.memory_space<semaphore_mem>>)
      %dma_wait3A = arith.constant 0 : i32
      %dma_wait3A_56 = arith.constant 0 : i32
      %dma_wait3A_57 = tpu.memref_slice %arg9[%dma_wait3A, %dma_wait3A_56] : memref<256x64xf32, #tpu.memory_space<vmem>> -> memref<160x64xf32, #tpu.memory_space<vmem>>
      %dma_wait3A_58 = arith.constant 0 : i32
      %dma_wait3A_59 = tpu.memref_slice %arg10[%add3A_13, %dma_wait3A_58] : memref<10240x64xf32, #tpu.memory_space<vmem_shared>> -> memref<160x64xf32, #tpu.memory_space<vmem_shared>>
      %dma_wait3A_60 = arith.constant 0 : i32
      %dma_wait3A_61 = tpu.memref_slice %arg10[%add3A_13, %dma_wait3A_60] : memref<10240x64xf32, #tpu.memory_space<vmem_shared>> -> memref<160x64xf32, #tpu.memory_space<vmem_shared>>
      %dma_wait3A_62 = arith.constant 0 : i32
      %dma_wait3A_63 = arith.constant 0 : i32
      %dma_wait3A_64 = tpu.memref_slice %arg9[%dma_wait3A_62, %dma_wait3A_63] : memref<256x64xf32, #tpu.memory_space<vmem>> -> memref<160x64xf32, #tpu.memory_space<vmem>>
      tpu.wait_dma2 semaphore(%run_scoped3A : memref<!tpu.dma_semaphore, #tpu.memory_space<semaphore_mem>>) src(%dma_wait3A_64 : memref<160x64xf32, #tpu.memory_space<vmem>>) dst(%dma_wait3A_61 : memref<160x64xf32, #tpu.memory_space<vmem_shared>>)
      tpu.yield
    }) : () -> ()
    %barrier3A = arith.constant 0 : index
    tpu.barrier barrier_id(%barrier3A)
    %scan3A = arith.constant 0 : i32
    %scan3A_14 = arith.constant 80 : i32
    %scan3A_15 = arith.addi %scan3A, %scan3A_14 : i32
    %scan3A_16 = arith.constant 1 : i32
    scf.for %scan3A_47 = %scan3A to %scan3A_15 step %scan3A_16  : i32 {
      %mul3A_48 = arith.constant 1 : i32
      %mul3A_49 = arith.muli %scan3A_47, %mul3A_48 : i32
      %add3A_50 = arith.constant 0 : i32
      %add3A_51 = arith.addi %add3A_50, %mul3A_49 : i32
      %dma_start3A = arith.constant 0 : i32
      %dma_start3A_52 = tpu.memref_slice %arg7[%add3A_51, %dma_start3A] : memref<80x256xi32, #tpu.memory_space<vmem>> -> memref<1x256xi32, #tpu.memory_space<vmem>>
      %dma_start3A_53 = tpu.memref_squeeze %dma_start3A_52 : memref<1x256xi32, #tpu.memory_space<vmem>> -> memref<256xi32, #tpu.memory_space<vmem>>
      %dma_start3A_54 = arith.constant 0 : i32
      %dma_start3A_55 = arith.constant 0 : i32
      %dma_start3A_56 = tpu.memref_slice %arg2[%arg0, %dma_start3A_54, %dma_start3A_55] : memref<2x10000x64xf32, #tpu.memory_space<hbm>> -> memref<1x10000x64xf32, #tpu.memory_space<hbm>>
      %dma_start3A_57 = tpu.memref_squeeze %dma_start3A_56 : memref<1x10000x64xf32, #tpu.memory_space<hbm>> -> memref<10000x64xf32, #tpu.memory_space<hbm>>
      %dma_start3A_58 = arith.constant 0 : i32
      %dma_start3A_59 = arith.constant 0 : i32
      %dma_start3A_60 = tpu.memref_slice %dma_start3A_57[%dma_start3A_58, %dma_start3A_59] : memref<10000x64xf32, #tpu.memory_space<hbm>> -> memref<10000x64xf32, #tpu.memory_space<hbm>>
      tpu.enqueue_indirect_dma source(%dma_start3A_60 : memref<10000x64xf32, #tpu.memory_space<hbm>>) target(%arg9 : memref<256x64xf32, #tpu.memory_space<vmem>>) offsets(%dma_start3A_53 : memref<256xi32, #tpu.memory_space<vmem>>) semaphore(%arg11 : memref<!tpu.dma_semaphore, #tpu.memory_space<semaphore_mem>>)
      %dma_wait3A = arith.constant 0 : i32
      %dma_wait3A_61 = tpu.memref_slice %arg7[%add3A_51, %dma_wait3A] : memref<80x256xi32, #tpu.memory_space<vmem>> -> memref<1x256xi32, #tpu.memory_space<vmem>>
      %dma_wait3A_62 = tpu.memref_squeeze %dma_wait3A_61 : memref<1x256xi32, #tpu.memory_space<vmem>> -> memref<256xi32, #tpu.memory_space<vmem>>
      %dma_wait3A_63 = arith.constant 0 : i32
      %dma_wait3A_64 = arith.constant 0 : i32
      %dma_wait3A_65 = tpu.memref_slice %arg2[%arg0, %dma_wait3A_63, %dma_wait3A_64] : memref<2x10000x64xf32, #tpu.memory_space<hbm>> -> memref<1x10000x64xf32, #tpu.memory_space<hbm>>
      %dma_wait3A_66 = tpu.memref_squeeze %dma_wait3A_65 : memref<1x10000x64xf32, #tpu.memory_space<hbm>> -> memref<10000x64xf32, #tpu.memory_space<hbm>>
      %dma_wait3A_67 = arith.constant 0 : i32
      %dma_wait3A_68 = arith.constant 0 : i32
      %dma_wait3A_69 = tpu.memref_slice %dma_wait3A_66[%dma_wait3A_67, %dma_wait3A_68] : memref<10000x64xf32, #tpu.memory_space<hbm>> -> memref<10000x64xf32, #tpu.memory_space<hbm>>
      tpu.wait_indirect_dma semaphore(%arg11 : memref<!tpu.dma_semaphore, #tpu.memory_space<semaphore_mem>>) src(%dma_wait3A_69 : memref<10000x64xf32, #tpu.memory_space<hbm>>) dst(%arg9 : memref<256x64xf32, #tpu.memory_space<vmem>>)
      "tpu.region"() ({
        %run_scoped3A = tpu.sem_alloc : memref<!tpu.dma_semaphore, #tpu.memory_space<semaphore_mem>>
        %dma_start3A_70 = arith.constant 0 : i32
        %dma_start3A_71 = tpu.memref_slice %arg8[%add3A_51, %dma_start3A_70] : memref<80x256xi32, #tpu.memory_space<vmem>> -> memref<1x256xi32, #tpu.memory_space<vmem>>
        %dma_start3A_72 = tpu.memref_squeeze %dma_start3A_71 : memref<1x256xi32, #tpu.memory_space<vmem>> -> memref<256xi32, #tpu.memory_space<vmem>>
        %dma_start3A_73 = arith.constant 0 : i32
        %dma_start3A_74 = arith.constant 0 : i32
        %dma_start3A_75 = tpu.memref_slice %arg10[%dma_start3A_73, %dma_start3A_74] : memref<10240x64xf32, #tpu.memory_space<vmem_shared>> -> memref<10240x64xf32, #tpu.memory_space<vmem_shared>>
        tpu.enqueue_indirect_dma source(%arg9 : memref<256x64xf32, #tpu.memory_space<vmem>>) target(%dma_start3A_75 : memref<10240x64xf32, #tpu.memory_space<vmem_shared>>) offsets(%dma_start3A_72 : memref<256xi32, #tpu.memory_space<vmem>>) semaphore(%run_scoped3A : memref<!tpu.dma_semaphore, #tpu.memory_space<semaphore_mem>>) {add = true}
        %dma_wait3A_76 = arith.constant 0 : i32
        %dma_wait3A_77 = tpu.memref_slice %arg8[%add3A_51, %dma_wait3A_76] : memref<80x256xi32, #tpu.memory_space<vmem>> -> memref<1x256xi32, #tpu.memory_space<vmem>>
        %dma_wait3A_78 = tpu.memref_squeeze %dma_wait3A_77 : memref<1x256xi32, #tpu.memory_space<vmem>> -> memref<256xi32, #tpu.memory_space<vmem>>
        %dma_wait3A_79 = arith.constant 0 : i32
        %dma_wait3A_80 = arith.constant 0 : i32
        %dma_wait3A_81 = tpu.memref_slice %arg10[%dma_wait3A_79, %dma_wait3A_80] : memref<10240x64xf32, #tpu.memory_space<vmem_shared>> -> memref<10240x64xf32, #tpu.memory_space<vmem_shared>>
        tpu.wait_indirect_dma semaphore(%run_scoped3A : memref<!tpu.dma_semaphore, #tpu.memory_space<semaphore_mem>>) src(%arg9 : memref<256x64xf32, #tpu.memory_space<vmem>>) dst(%dma_wait3A_81 : memref<10240x64xf32, #tpu.memory_space<vmem_shared>>)
        tpu.yield
      }) : () -> ()
    }
    %scan3A_17 = arith.constant 80 : i32
    %barrier3A_18 = arith.constant 0 : index
    tpu.barrier barrier_id(%barrier3A_18)
    %mul3A_19 = arith.constant 640 : i32
    %mul3A_20 = arith.muli %arg1, %mul3A_19 : i32
    %add3A_21 = arith.constant 0 : i32
    %add3A_22 = arith.addi %mul3A_20, %add3A_21 : i32
    "tpu.region"() ({
      %run_scoped3A = tpu.sem_alloc : memref<!tpu.dma_semaphore, #tpu.memory_space<semaphore_mem>>
      %dma_start3A = arith.constant 0 : i32
      %dma_start3A_47 = arith.constant 0 : i32
      %dma_start3A_48 = tpu.memref_slice %arg9[%dma_start3A, %dma_start3A_47] : memref<256x64xf32, #tpu.memory_space<vmem>> -> memref<160x64xf32, #tpu.memory_space<vmem>>
      %dma_start3A_49 = arith.constant 0 : i32
      %dma_start3A_50 = tpu.memref_slice %arg10[%add3A_22, %dma_start3A_49] : memref<10240x64xf32, #tpu.memory_space<vmem_shared>> -> memref<160x64xf32, #tpu.memory_space<vmem_shared>>
      %dma_start3A_51 = arith.constant 0 : i32
      %dma_start3A_52 = arith.constant 0 : i32
      %dma_start3A_53 = tpu.memref_slice %arg9[%dma_start3A_51, %dma_start3A_52] : memref<256x64xf32, #tpu.memory_space<vmem>> -> memref<160x64xf32, #tpu.memory_space<vmem>>
      %dma_start3A_54 = arith.constant 0 : i32
      %dma_start3A_55 = tpu.memref_slice %arg10[%add3A_22, %dma_start3A_54] : memref<10240x64xf32, #tpu.memory_space<vmem_shared>> -> memref<160x64xf32, #tpu.memory_space<vmem_shared>>
      tpu.enqueue_dma source(%dma_start3A_55 : memref<160x64xf32, #tpu.memory_space<vmem_shared>>) target(%dma_start3A_53 : memref<160x64xf32, #tpu.memory_space<vmem>>) target_semaphore(%run_scoped3A : memref<!tpu.dma_semaphore, #tpu.memory_space<semaphore_mem>>)
      %dma_wait3A = arith.constant 0 : i32
      %dma_wait3A_56 = arith.constant 0 : i32
      %dma_wait3A_57 = tpu.memref_slice %arg9[%dma_wait3A, %dma_wait3A_56] : memref<256x64xf32, #tpu.memory_space<vmem>> -> memref<160x64xf32, #tpu.memory_space<vmem>>
      %dma_wait3A_58 = arith.constant 0 : i32
      %dma_wait3A_59 = tpu.memref_slice %arg10[%add3A_22, %dma_wait3A_58] : memref<10240x64xf32, #tpu.memory_space<vmem_shared>> -> memref<160x64xf32, #tpu.memory_space<vmem_shared>>
      %dma_wait3A_60 = arith.constant 0 : i32
      %dma_wait3A_61 = arith.constant 0 : i32
      %dma_wait3A_62 = tpu.memref_slice %arg9[%dma_wait3A_60, %dma_wait3A_61] : memref<256x64xf32, #tpu.memory_space<vmem>> -> memref<160x64xf32, #tpu.memory_space<vmem>>
      %dma_wait3A_63 = arith.constant 0 : i32
      %dma_wait3A_64 = tpu.memref_slice %arg10[%add3A_22, %dma_wait3A_63] : memref<10240x64xf32, #tpu.memory_space<vmem_shared>> -> memref<160x64xf32, #tpu.memory_space<vmem_shared>>
      tpu.wait_dma2 semaphore(%run_scoped3A : memref<!tpu.dma_semaphore, #tpu.memory_space<semaphore_mem>>) src(%dma_wait3A_64 : memref<160x64xf32, #tpu.memory_space<vmem_shared>>) dst(%dma_wait3A_62 : memref<160x64xf32, #tpu.memory_space<vmem>>)
      tpu.yield
    }) : () -> ()
    %mul3A_23 = arith.constant 10240 : i32
    %mul3A_24 = arith.muli %arg0, %mul3A_23 : i32
    %add3A_25 = arith.addi %mul3A_24, %add3A_22 : i32
    "tpu.region"() ({
      %run_scoped3A = tpu.sem_alloc : memref<!tpu.dma_semaphore, #tpu.memory_space<semaphore_mem>>
      %dma_start3A = arith.constant 0 : i32
      %dma_start3A_47 = arith.constant 0 : i32
      %dma_start3A_48 = tpu.memref_slice %arg9[%dma_start3A, %dma_start3A_47] : memref<256x64xf32, #tpu.memory_space<vmem>> -> memref<160x64xf32, #tpu.memory_space<vmem>>
      %dma_start3A_49 = arith.constant 0 : i32
      %dma_start3A_50 = tpu.memref_slice %arg6[%add3A_25, %dma_start3A_49] : memref<20480x64xf32, #tpu.memory_space<hbm>> -> memref<160x64xf32, #tpu.memory_space<hbm>>
      %dma_start3A_51 = arith.constant 0 : i32
      %dma_start3A_52 = tpu.memref_slice %arg6[%add3A_25, %dma_start3A_51] : memref<20480x64xf32, #tpu.memory_space<hbm>> -> memref<160x64xf32, #tpu.memory_space<hbm>>
      %dma_start3A_53 = arith.constant 0 : i32
      %dma_start3A_54 = arith.constant 0 : i32
      %dma_start3A_55 = tpu.memref_slice %arg9[%dma_start3A_53, %dma_start3A_54] : memref<256x64xf32, #tpu.memory_space<vmem>> -> memref<160x64xf32, #tpu.memory_space<vmem>>
      tpu.enqueue_dma source(%dma_start3A_55 : memref<160x64xf32, #tpu.memory_space<vmem>>) target(%dma_start3A_52 : memref<160x64xf32, #tpu.memory_space<hbm>>) target_semaphore(%run_scoped3A : memref<!tpu.dma_semaphore, #tpu.memory_space<semaphore_mem>>)
      %dma_wait3A = arith.constant 0 : i32
      %dma_wait3A_56 = arith.constant 0 : i32
      %dma_wait3A_57 = tpu.memref_slice %arg9[%dma_wait3A, %dma_wait3A_56] : memref<256x64xf32, #tpu.memory_space<vmem>> -> memref<160x64xf32, #tpu.memory_space<vmem>>
      %dma_wait3A_58 = arith.constant 0 : i32
      %dma_wait3A_59 = tpu.memref_slice %arg6[%add3A_25, %dma_wait3A_58] : memref<20480x64xf32, #tpu.memory_space<hbm>> -> memref<160x64xf32, #tpu.memory_space<hbm>>
      %dma_wait3A_60 = arith.constant 0 : i32
      %dma_wait3A_61 = tpu.memref_slice %arg6[%add3A_25, %dma_wait3A_60] : memref<20480x64xf32, #tpu.memory_space<hbm>> -> memref<160x64xf32, #tpu.memory_space<hbm>>
      %dma_wait3A_62 = arith.constant 0 : i32
      %dma_wait3A_63 = arith.constant 0 : i32
      %dma_wait3A_64 = tpu.memref_slice %arg9[%dma_wait3A_62, %dma_wait3A_63] : memref<256x64xf32, #tpu.memory_space<vmem>> -> memref<160x64xf32, #tpu.memory_space<vmem>>
      tpu.wait_dma2 semaphore(%run_scoped3A : memref<!tpu.dma_semaphore, #tpu.memory_space<semaphore_mem>>) src(%dma_wait3A_64 : memref<160x64xf32, #tpu.memory_space<vmem>>) dst(%dma_wait3A_61 : memref<160x64xf32, #tpu.memory_space<hbm>>)
      tpu.yield
    }) : () -> ()
    %mul3A_26 = arith.constant 640 : i32
    %mul3A_27 = arith.muli %arg1, %mul3A_26 : i32
    %add3A_28 = arith.constant 160 : i32
    %add3A_29 = arith.addi %mul3A_27, %add3A_28 : i32
    "tpu.region"() ({
      %run_scoped3A = tpu.sem_alloc : memref<!tpu.dma_semaphore, #tpu.memory_space<semaphore_mem>>
      %dma_start3A = arith.constant 0 : i32
      %dma_start3A_47 = arith.constant 0 : i32
      %dma_start3A_48 = tpu.memref_slice %arg9[%dma_start3A, %dma_start3A_47] : memref<256x64xf32, #tpu.memory_space<vmem>> -> memref<160x64xf32, #tpu.memory_space<vmem>>
      %dma_start3A_49 = arith.constant 0 : i32
      %dma_start3A_50 = tpu.memref_slice %arg10[%add3A_29, %dma_start3A_49] : memref<10240x64xf32, #tpu.memory_space<vmem_shared>> -> memref<160x64xf32, #tpu.memory_space<vmem_shared>>
      %dma_start3A_51 = arith.constant 0 : i32
      %dma_start3A_52 = arith.constant 0 : i32
      %dma_start3A_53 = tpu.memref_slice %arg9[%dma_start3A_51, %dma_start3A_52] : memref<256x64xf32, #tpu.memory_space<vmem>> -> memref<160x64xf32, #tpu.memory_space<vmem>>
      %dma_start3A_54 = arith.constant 0 : i32
      %dma_start3A_55 = tpu.memref_slice %arg10[%add3A_29, %dma_start3A_54] : memref<10240x64xf32, #tpu.memory_space<vmem_shared>> -> memref<160x64xf32, #tpu.memory_space<vmem_shared>>
      tpu.enqueue_dma source(%dma_start3A_55 : memref<160x64xf32, #tpu.memory_space<vmem_shared>>) target(%dma_start3A_53 : memref<160x64xf32, #tpu.memory_space<vmem>>) target_semaphore(%run_scoped3A : memref<!tpu.dma_semaphore, #tpu.memory_space<semaphore_mem>>)
      %dma_wait3A = arith.constant 0 : i32
      %dma_wait3A_56 = arith.constant 0 : i32
      %dma_wait3A_57 = tpu.memref_slice %arg9[%dma_wait3A, %dma_wait3A_56] : memref<256x64xf32, #tpu.memory_space<vmem>> -> memref<160x64xf32, #tpu.memory_space<vmem>>
      %dma_wait3A_58 = arith.constant 0 : i32
      %dma_wait3A_59 = tpu.memref_slice %arg10[%add3A_29, %dma_wait3A_58] : memref<10240x64xf32, #tpu.memory_space<vmem_shared>> -> memref<160x64xf32, #tpu.memory_space<vmem_shared>>
      %dma_wait3A_60 = arith.constant 0 : i32
      %dma_wait3A_61 = arith.constant 0 : i32
      %dma_wait3A_62 = tpu.memref_slice %arg9[%dma_wait3A_60, %dma_wait3A_61] : memref<256x64xf32, #tpu.memory_space<vmem>> -> memref<160x64xf32, #tpu.memory_space<vmem>>
      %dma_wait3A_63 = arith.constant 0 : i32
      %dma_wait3A_64 = tpu.memref_slice %arg10[%add3A_29, %dma_wait3A_63] : memref<10240x64xf32, #tpu.memory_space<vmem_shared>> -> memref<160x64xf32, #tpu.memory_space<vmem_shared>>
      tpu.wait_dma2 semaphore(%run_scoped3A : memref<!tpu.dma_semaphore, #tpu.memory_space<semaphore_mem>>) src(%dma_wait3A_64 : memref<160x64xf32, #tpu.memory_space<vmem_shared>>) dst(%dma_wait3A_62 : memref<160x64xf32, #tpu.memory_space<vmem>>)
      tpu.yield
    }) : () -> ()
    %mul3A_30 = arith.constant 10240 : i32
    %mul3A_31 = arith.muli %arg0, %mul3A_30 : i32
    %add3A_32 = arith.addi %mul3A_31, %add3A_29 : i32
    "tpu.region"() ({
      %run_scoped3A = tpu.sem_alloc : memref<!tpu.dma_semaphore, #tpu.memory_space<semaphore_mem>>
      %dma_start3A = arith.constant 0 : i32
      %dma_start3A_47 = arith.constant 0 : i32
      %dma_start3A_48 = tpu.memref_slice %arg9[%dma_start3A, %dma_start3A_47] : memref<256x64xf32, #tpu.memory_space<vmem>> -> memref<160x64xf32, #tpu.memory_space<vmem>>
      %dma_start3A_49 = arith.constant 0 : i32
      %dma_start3A_50 = tpu.memref_slice %arg6[%add3A_32, %dma_start3A_49] : memref<20480x64xf32, #tpu.memory_space<hbm>> -> memref<160x64xf32, #tpu.memory_space<hbm>>
      %dma_start3A_51 = arith.constant 0 : i32
      %dma_start3A_52 = tpu.memref_slice %arg6[%add3A_32, %dma_start3A_51] : memref<20480x64xf32, #tpu.memory_space<hbm>> -> memref<160x64xf32, #tpu.memory_space<hbm>>
      %dma_start3A_53 = arith.constant 0 : i32
      %dma_start3A_54 = arith.constant 0 : i32
      %dma_start3A_55 = tpu.memref_slice %arg9[%dma_start3A_53, %dma_start3A_54] : memref<256x64xf32, #tpu.memory_space<vmem>> -> memref<160x64xf32, #tpu.memory_space<vmem>>
      tpu.enqueue_dma source(%dma_start3A_55 : memref<160x64xf32, #tpu.memory_space<vmem>>) target(%dma_start3A_52 : memref<160x64xf32, #tpu.memory_space<hbm>>) target_semaphore(%run_scoped3A : memref<!tpu.dma_semaphore, #tpu.memory_space<semaphore_mem>>)
      %dma_wait3A = arith.constant 0 : i32
      %dma_wait3A_56 = arith.constant 0 : i32
      %dma_wait3A_57 = tpu.memref_slice %arg9[%dma_wait3A, %dma_wait3A_56] : memref<256x64xf32, #tpu.memory_space<vmem>> -> memref<160x64xf32, #tpu.memory_space<vmem>>
      %dma_wait3A_58 = arith.constant 0 : i32
      %dma_wait3A_59 = tpu.memref_slice %arg6[%add3A_32, %dma_wait3A_58] : memref<20480x64xf32, #tpu.memory_space<hbm>> -> memref<160x64xf32, #tpu.memory_space<hbm>>
      %dma_wait3A_60 = arith.constant 0 : i32
      %dma_wait3A_61 = tpu.memref_slice %arg6[%add3A_32, %dma_wait3A_60] : memref<20480x64xf32, #tpu.memory_space<hbm>> -> memref<160x64xf32, #tpu.memory_space<hbm>>
      %dma_wait3A_62 = arith.constant 0 : i32
      %dma_wait3A_63 = arith.constant 0 : i32
      %dma_wait3A_64 = tpu.memref_slice %arg9[%dma_wait3A_62, %dma_wait3A_63] : memref<256x64xf32, #tpu.memory_space<vmem>> -> memref<160x64xf32, #tpu.memory_space<vmem>>
      tpu.wait_dma2 semaphore(%run_scoped3A : memref<!tpu.dma_semaphore, #tpu.memory_space<semaphore_mem>>) src(%dma_wait3A_64 : memref<160x64xf32, #tpu.memory_space<vmem>>) dst(%dma_wait3A_61 : memref<160x64xf32, #tpu.memory_space<hbm>>)
      tpu.yield
    }) : () -> ()
    %mul3A_33 = arith.constant 640 : i32
    %mul3A_34 = arith.muli %arg1, %mul3A_33 : i32
    %add3A_35 = arith.constant 320 : i32
    %add3A_36 = arith.addi %mul3A_34, %add3A_35 : i32
    "tpu.region"() ({
      %run_scoped3A = tpu.sem_alloc : memref<!tpu.dma_semaphore, #tpu.memory_space<semaphore_mem>>
      %dma_start3A = arith.constant 0 : i32
      %dma_start3A_47 = arith.constant 0 : i32
      %dma_start3A_48 = tpu.memref_slice %arg9[%dma_start3A, %dma_start3A_47] : memref<256x64xf32, #tpu.memory_space<vmem>> -> memref<160x64xf32, #tpu.memory_space<vmem>>
      %dma_start3A_49 = arith.constant 0 : i32
      %dma_start3A_50 = tpu.memref_slice %arg10[%add3A_36, %dma_start3A_49] : memref<10240x64xf32, #tpu.memory_space<vmem_shared>> -> memref<160x64xf32, #tpu.memory_space<vmem_shared>>
      %dma_start3A_51 = arith.constant 0 : i32
      %dma_start3A_52 = arith.constant 0 : i32
      %dma_start3A_53 = tpu.memref_slice %arg9[%dma_start3A_51, %dma_start3A_52] : memref<256x64xf32, #tpu.memory_space<vmem>> -> memref<160x64xf32, #tpu.memory_space<vmem>>
      %dma_start3A_54 = arith.constant 0 : i32
      %dma_start3A_55 = tpu.memref_slice %arg10[%add3A_36, %dma_start3A_54] : memref<10240x64xf32, #tpu.memory_space<vmem_shared>> -> memref<160x64xf32, #tpu.memory_space<vmem_shared>>
      tpu.enqueue_dma source(%dma_start3A_55 : memref<160x64xf32, #tpu.memory_space<vmem_shared>>) target(%dma_start3A_53 : memref<160x64xf32, #tpu.memory_space<vmem>>) target_semaphore(%run_scoped3A : memref<!tpu.dma_semaphore, #tpu.memory_space<semaphore_mem>>)
      %dma_wait3A = arith.constant 0 : i32
      %dma_wait3A_56 = arith.constant 0 : i32
      %dma_wait3A_57 = tpu.memref_slice %arg9[%dma_wait3A, %dma_wait3A_56] : memref<256x64xf32, #tpu.memory_space<vmem>> -> memref<160x64xf32, #tpu.memory_space<vmem>>
      %dma_wait3A_58 = arith.constant 0 : i32
      %dma_wait3A_59 = tpu.memref_slice %arg10[%add3A_36, %dma_wait3A_58] : memref<10240x64xf32, #tpu.memory_space<vmem_shared>> -> memref<160x64xf32, #tpu.memory_space<vmem_shared>>
      %dma_wait3A_60 = arith.constant 0 : i32
      %dma_wait3A_61 = arith.constant 0 : i32
      %dma_wait3A_62 = tpu.memref_slice %arg9[%dma_wait3A_60, %dma_wait3A_61] : memref<256x64xf32, #tpu.memory_space<vmem>> -> memref<160x64xf32, #tpu.memory_space<vmem>>
      %dma_wait3A_63 = arith.constant 0 : i32
      %dma_wait3A_64 = tpu.memref_slice %arg10[%add3A_36, %dma_wait3A_63] : memref<10240x64xf32, #tpu.memory_space<vmem_shared>> -> memref<160x64xf32, #tpu.memory_space<vmem_shared>>
      tpu.wait_dma2 semaphore(%run_scoped3A : memref<!tpu.dma_semaphore, #tpu.memory_space<semaphore_mem>>) src(%dma_wait3A_64 : memref<160x64xf32, #tpu.memory_space<vmem_shared>>) dst(%dma_wait3A_62 : memref<160x64xf32, #tpu.memory_space<vmem>>)
      tpu.yield
    }) : () -> ()
    %mul3A_37 = arith.constant 10240 : i32
    %mul3A_38 = arith.muli %arg0, %mul3A_37 : i32
    %add3A_39 = arith.addi %mul3A_38, %add3A_36 : i32
    "tpu.region"() ({
      %run_scoped3A = tpu.sem_alloc : memref<!tpu.dma_semaphore, #tpu.memory_space<semaphore_mem>>
      %dma_start3A = arith.constant 0 : i32
      %dma_start3A_47 = arith.constant 0 : i32
      %dma_start3A_48 = tpu.memref_slice %arg9[%dma_start3A, %dma_start3A_47] : memref<256x64xf32, #tpu.memory_space<vmem>> -> memref<160x64xf32, #tpu.memory_space<vmem>>
      %dma_start3A_49 = arith.constant 0 : i32
      %dma_start3A_50 = tpu.memref_slice %arg6[%add3A_39, %dma_start3A_49] : memref<20480x64xf32, #tpu.memory_space<hbm>> -> memref<160x64xf32, #tpu.memory_space<hbm>>
      %dma_start3A_51 = arith.constant 0 : i32
      %dma_start3A_52 = tpu.memref_slice %arg6[%add3A_39, %dma_start3A_51] : memref<20480x64xf32, #tpu.memory_space<hbm>> -> memref<160x64xf32, #tpu.memory_space<hbm>>
      %dma_start3A_53 = arith.constant 0 : i32
      %dma_start3A_54 = arith.constant 0 : i32
      %dma_start3A_55 = tpu.memref_slice %arg9[%dma_start3A_53, %dma_start3A_54] : memref<256x64xf32, #tpu.memory_space<vmem>> -> memref<160x64xf32, #tpu.memory_space<vmem>>
      tpu.enqueue_dma source(%dma_start3A_55 : memref<160x64xf32, #tpu.memory_space<vmem>>) target(%dma_start3A_52 : memref<160x64xf32, #tpu.memory_space<hbm>>) target_semaphore(%run_scoped3A : memref<!tpu.dma_semaphore, #tpu.memory_space<semaphore_mem>>)
      %dma_wait3A = arith.constant 0 : i32
      %dma_wait3A_56 = arith.constant 0 : i32
      %dma_wait3A_57 = tpu.memref_slice %arg9[%dma_wait3A, %dma_wait3A_56] : memref<256x64xf32, #tpu.memory_space<vmem>> -> memref<160x64xf32, #tpu.memory_space<vmem>>
      %dma_wait3A_58 = arith.constant 0 : i32
      %dma_wait3A_59 = tpu.memref_slice %arg6[%add3A_39, %dma_wait3A_58] : memref<20480x64xf32, #tpu.memory_space<hbm>> -> memref<160x64xf32, #tpu.memory_space<hbm>>
      %dma_wait3A_60 = arith.constant 0 : i32
      %dma_wait3A_61 = tpu.memref_slice %arg6[%add3A_39, %dma_wait3A_60] : memref<20480x64xf32, #tpu.memory_space<hbm>> -> memref<160x64xf32, #tpu.memory_space<hbm>>
      %dma_wait3A_62 = arith.constant 0 : i32
      %dma_wait3A_63 = arith.constant 0 : i32
      %dma_wait3A_64 = tpu.memref_slice %arg9[%dma_wait3A_62, %dma_wait3A_63] : memref<256x64xf32, #tpu.memory_space<vmem>> -> memref<160x64xf32, #tpu.memory_space<vmem>>
      tpu.wait_dma2 semaphore(%run_scoped3A : memref<!tpu.dma_semaphore, #tpu.memory_space<semaphore_mem>>) src(%dma_wait3A_64 : memref<160x64xf32, #tpu.memory_space<vmem>>) dst(%dma_wait3A_61 : memref<160x64xf32, #tpu.memory_space<hbm>>)
      tpu.yield
    }) : () -> ()
    %mul3A_40 = arith.constant 640 : i32
    %mul3A_41 = arith.muli %arg1, %mul3A_40 : i32
    %add3A_42 = arith.constant 480 : i32
    %add3A_43 = arith.addi %mul3A_41, %add3A_42 : i32
    "tpu.region"() ({
      %run_scoped3A = tpu.sem_alloc : memref<!tpu.dma_semaphore, #tpu.memory_space<semaphore_mem>>
      %dma_start3A = arith.constant 0 : i32
      %dma_start3A_47 = arith.constant 0 : i32
      %dma_start3A_48 = tpu.memref_slice %arg9[%dma_start3A, %dma_start3A_47] : memref<256x64xf32, #tpu.memory_space<vmem>> -> memref<160x64xf32, #tpu.memory_space<vmem>>
      %dma_start3A_49 = arith.constant 0 : i32
      %dma_start3A_50 = tpu.memref_slice %arg10[%add3A_43, %dma_start3A_49] : memref<10240x64xf32, #tpu.memory_space<vmem_shared>> -> memref<160x64xf32, #tpu.memory_space<vmem_shared>>
      %dma_start3A_51 = arith.constant 0 : i32
      %dma_start3A_52 = arith.constant 0 : i32
      %dma_start3A_53 = tpu.memref_slice %arg9[%dma_start3A_51, %dma_start3A_52] : memref<256x64xf32, #tpu.memory_space<vmem>> -> memref<160x64xf32, #tpu.memory_space<vmem>>
      %dma_start3A_54 = arith.constant 0 : i32
      %dma_start3A_55 = tpu.memref_slice %arg10[%add3A_43, %dma_start3A_54] : memref<10240x64xf32, #tpu.memory_space<vmem_shared>> -> memref<160x64xf32, #tpu.memory_space<vmem_shared>>
      tpu.enqueue_dma source(%dma_start3A_55 : memref<160x64xf32, #tpu.memory_space<vmem_shared>>) target(%dma_start3A_53 : memref<160x64xf32, #tpu.memory_space<vmem>>) target_semaphore(%run_scoped3A : memref<!tpu.dma_semaphore, #tpu.memory_space<semaphore_mem>>)
      %dma_wait3A = arith.constant 0 : i32
      %dma_wait3A_56 = arith.constant 0 : i32
      %dma_wait3A_57 = tpu.memref_slice %arg9[%dma_wait3A, %dma_wait3A_56] : memref<256x64xf32, #tpu.memory_space<vmem>> -> memref<160x64xf32, #tpu.memory_space<vmem>>
      %dma_wait3A_58 = arith.constant 0 : i32
      %dma_wait3A_59 = tpu.memref_slice %arg10[%add3A_43, %dma_wait3A_58] : memref<10240x64xf32, #tpu.memory_space<vmem_shared>> -> memref<160x64xf32, #tpu.memory_space<vmem_shared>>
      %dma_wait3A_60 = arith.constant 0 : i32
      %dma_wait3A_61 = arith.constant 0 : i32
      %dma_wait3A_62 = tpu.memref_slice %arg9[%dma_wait3A_60, %dma_wait3A_61] : memref<256x64xf32, #tpu.memory_space<vmem>> -> memref<160x64xf32, #tpu.memory_space<vmem>>
      %dma_wait3A_63 = arith.constant 0 : i32
      %dma_wait3A_64 = tpu.memref_slice %arg10[%add3A_43, %dma_wait3A_63] : memref<10240x64xf32, #tpu.memory_space<vmem_shared>> -> memref<160x64xf32, #tpu.memory_space<vmem_shared>>
      tpu.wait_dma2 semaphore(%run_scoped3A : memref<!tpu.dma_semaphore, #tpu.memory_space<semaphore_mem>>) src(%dma_wait3A_64 : memref<160x64xf32, #tpu.memory_space<vmem_shared>>) dst(%dma_wait3A_62 : memref<160x64xf32, #tpu.memory_space<vmem>>)
      tpu.yield
    }) : () -> ()
    %mul3A_44 = arith.constant 10240 : i32
    %mul3A_45 = arith.muli %arg0, %mul3A_44 : i32
    %add3A_46 = arith.addi %mul3A_45, %add3A_43 : i32
    "tpu.region"() ({
      %run_scoped3A = tpu.sem_alloc : memref<!tpu.dma_semaphore, #tpu.memory_space<semaphore_mem>>
      %dma_start3A = arith.constant 0 : i32
      %dma_start3A_47 = arith.constant 0 : i32
      %dma_start3A_48 = tpu.memref_slice %arg9[%dma_start3A, %dma_start3A_47] : memref<256x64xf32, #tpu.memory_space<vmem>> -> memref<160x64xf32, #tpu.memory_space<vmem>>
      %dma_start3A_49 = arith.constant 0 : i32
      %dma_start3A_50 = tpu.memref_slice %arg6[%add3A_46, %dma_start3A_49] : memref<20480x64xf32, #tpu.memory_space<hbm>> -> memref<160x64xf32, #tpu.memory_space<hbm>>
      %dma_start3A_51 = arith.constant 0 : i32
      %dma_start3A_52 = tpu.memref_slice %arg6[%add3A_46, %dma_start3A_51] : memref<20480x64xf32, #tpu.memory_space<hbm>> -> memref<160x64xf32, #tpu.memory_space<hbm>>
      %dma_start3A_53 = arith.constant 0 : i32
      %dma_start3A_54 = arith.constant 0 : i32
      %dma_start3A_55 = tpu.memref_slice %arg9[%dma_start3A_53, %dma_start3A_54] : memref<256x64xf32, #tpu.memory_space<vmem>> -> memref<160x64xf32, #tpu.memory_space<vmem>>
      tpu.enqueue_dma source(%dma_start3A_55 : memref<160x64xf32, #tpu.memory_space<vmem>>) target(%dma_start3A_52 : memref<160x64xf32, #tpu.memory_space<hbm>>) target_semaphore(%run_scoped3A : memref<!tpu.dma_semaphore, #tpu.memory_space<semaphore_mem>>)
      %dma_wait3A = arith.constant 0 : i32
      %dma_wait3A_56 = arith.constant 0 : i32
      %dma_wait3A_57 = tpu.memref_slice %arg9[%dma_wait3A, %dma_wait3A_56] : memref<256x64xf32, #tpu.memory_space<vmem>> -> memref<160x64xf32, #tpu.memory_space<vmem>>
      %dma_wait3A_58 = arith.constant 0 : i32
      %dma_wait3A_59 = tpu.memref_slice %arg6[%add3A_46, %dma_wait3A_58] : memref<20480x64xf32, #tpu.memory_space<hbm>> -> memref<160x64xf32, #tpu.memory_space<hbm>>
      %dma_wait3A_60 = arith.constant 0 : i32
      %dma_wait3A_61 = tpu.memref_slice %arg6[%add3A_46, %dma_wait3A_60] : memref<20480x64xf32, #tpu.memory_space<hbm>> -> memref<160x64xf32, #tpu.memory_space<hbm>>
      %dma_wait3A_62 = arith.constant 0 : i32
      %dma_wait3A_63 = arith.constant 0 : i32
      %dma_wait3A_64 = tpu.memref_slice %arg9[%dma_wait3A_62, %dma_wait3A_63] : memref<256x64xf32, #tpu.memory_space<vmem>> -> memref<160x64xf32, #tpu.memory_space<vmem>>
      tpu.wait_dma2 semaphore(%run_scoped3A : memref<!tpu.dma_semaphore, #tpu.memory_space<semaphore_mem>>) src(%dma_wait3A_64 : memref<160x64xf32, #tpu.memory_space<vmem>>) dst(%dma_wait3A_61 : memref<160x64xf32, #tpu.memory_space<hbm>>)
      tpu.yield
    }) : () -> ()
    return
  }
}

module attributes {stable_mosaic.version = 14 : i64} {
  func.func @_stage1_body(%arg0: i32, %arg1: memref<1000x16xf32, #tpu.memory_space<vmem>>, %arg2: memref<1000x16xf32, #tpu.memory_space<vmem>>, %arg3: memref<1000x128xf32, #tpu.memory_space<vmem>>, %arg4: memref<128x128xf32, #tpu.memory_space<vmem>>, %arg5: memref<1x128xf32, #tpu.memory_space<vmem>>, %arg6: memref<128x128xf32, #tpu.memory_space<vmem>>, %arg7: memref<1x128xf32, #tpu.memory_space<vmem>>, %arg8: memref<128x128xf32, #tpu.memory_space<vmem>>, %arg9: memref<1x128xf32, #tpu.memory_space<vmem>>, %arg10: memref<2x1000x64xf32, #tpu.memory_space<vmem>>, %arg11: memref<1000x128xf32, #tpu.memory_space<vmem>>) attributes {dimension_semantics = [#tpu.dimension_semantics<arbitrary>], iteration_bounds = array<i64: 10>, scalar_prefetch = 0 : i64, scratch_operands = 0 : i64, tpu.core_type = #tpu.core_type<tc>, window_params = [{transform_indices = @transform_0, window_bounds = array<i64: 1000, 16>}, {transform_indices = @transform_1, window_bounds = array<i64: 1000, 16>}, {transform_indices = @transform_2, window_bounds = array<i64: 1000, 128>}, {pipeline_mode = #tpu.pipeline_mode<synchronous>, transform_indices = @transform_3, window_bounds = array<i64: 128, 128>}, {pipeline_mode = #tpu.pipeline_mode<synchronous>, transform_indices = @transform_4, window_bounds = array<i64: 1, 128>}, {pipeline_mode = #tpu.pipeline_mode<synchronous>, transform_indices = @transform_5, window_bounds = array<i64: 128, 128>}, {pipeline_mode = #tpu.pipeline_mode<synchronous>, transform_indices = @transform_6, window_bounds = array<i64: 1, 128>}, {pipeline_mode = #tpu.pipeline_mode<synchronous>, transform_indices = @transform_7, window_bounds = array<i64: 128, 128>}, {pipeline_mode = #tpu.pipeline_mode<synchronous>, transform_indices = @transform_8, window_bounds = array<i64: 1, 128>}, {transform_indices = @transform_9, window_bounds = array<i64: 2, 1000, 64>}, {transform_indices = @transform_10, window_bounds = array<i64: 1000, 128>}]} {
    %get3A = arith.constant 0 : index
    %get3A_0 = arith.constant 0 : index
    %get3A_1 = vector.load %arg1[%get3A, %get3A_0] : memref<1000x16xf32, #tpu.memory_space<vmem>>, vector<1000x1xf32>
    %get3A_2 = arith.constant 0 : index
    %get3A_3 = arith.constant 0 : index
    %get3A_4 = vector.load %arg2[%get3A_2, %get3A_3] : memref<1000x16xf32, #tpu.memory_space<vmem>>, vector<1000x1xf32>
    %add3A = arith.addf %get3A_1, %get3A_4 : vector<1000x1xf32>
    %rsqrt3A = math.rsqrt %add3A : vector<1000x1xf32>
    %get3A_5 = arith.constant 0 : index
    %get3A_6 = arith.constant 0 : index
    %get3A_7 = vector.load %arg3[%get3A_5, %get3A_6] : memref<1000x128xf32, #tpu.memory_space<vmem>>, vector<1000x128xf32>
    %mul3A = vector.broadcast %rsqrt3A : vector<1000x1xf32> to vector<1000x128xf32>
    %mul3A_8 = arith.mulf %mul3A, %get3A_7 : vector<1000x128xf32>
    %slice3A = vector.extract_strided_slice %mul3A_8 {offsets = [0, 0], sizes = [1000, 64], strides = [1, 1]} : vector<1000x128xf32> to vector<1000x64xf32>
    %swap3A = arith.constant 0 : index
    %swap3A_9 = arith.constant 0 : index
    %swap3A_10 = arith.constant 0 : index
    %swap3A_11 = vector.load %arg10[%swap3A, %swap3A_9, %swap3A_10] : memref<2x1000x64xf32, #tpu.memory_space<vmem>>, vector<1x1000x64xf32>
    %swap3A_12 = vector.shape_cast %swap3A_11 : vector<1x1000x64xf32> to vector<1000x64xf32>
    %swap3A_13 = vector.shape_cast %slice3A : vector<1000x64xf32> to vector<1x1000x64xf32>
    tpu.vector_store %arg10[%swap3A, %swap3A_9, %swap3A_10], %swap3A_13 {strides = array<i32>} : memref<2x1000x64xf32, #tpu.memory_space<vmem>>, vector<1x1000x64xf32>,
    %slice3A_14 = vector.extract_strided_slice %mul3A_8 {offsets = [0, 64], sizes = [1000, 64], strides = [1, 1]} : vector<1000x128xf32> to vector<1000x64xf32>
    %swap3A_15 = arith.constant 1 : index
    %swap3A_16 = arith.constant 0 : index
    %swap3A_17 = arith.constant 0 : index
    %swap3A_18 = vector.load %arg10[%swap3A_15, %swap3A_16, %swap3A_17] : memref<2x1000x64xf32, #tpu.memory_space<vmem>>, vector<1x1000x64xf32>
    %swap3A_19 = vector.shape_cast %swap3A_18 : vector<1x1000x64xf32> to vector<1000x64xf32>
    %swap3A_20 = vector.shape_cast %slice3A_14 : vector<1000x64xf32> to vector<1x1000x64xf32>
    tpu.vector_store %arg10[%swap3A_15, %swap3A_16, %swap3A_17], %swap3A_20 {strides = array<i32>} : memref<2x1000x64xf32, #tpu.memory_space<vmem>>, vector<1x1000x64xf32>,
    %get3A_21 = arith.constant 0 : index
    %get3A_22 = arith.constant 0 : index
    %get3A_23 = vector.load %arg4[%get3A_21, %get3A_22] : memref<128x128xf32, #tpu.memory_space<vmem>>, vector<128x128xf32>
    %get3A_24 = arith.constant 0 : index
    %get3A_25 = arith.constant 0 : index
    %get3A_26 = vector.load %arg5[%get3A_24, %get3A_25] : memref<1x128xf32, #tpu.memory_space<vmem>>, vector<1x128xf32>
    %get3A_27 = arith.constant 0 : index
    %get3A_28 = arith.constant 0 : index
    %get3A_29 = vector.load %arg6[%get3A_27, %get3A_28] : memref<128x128xf32, #tpu.memory_space<vmem>>, vector<128x128xf32>
    %get3A_30 = arith.constant 0 : index
    %get3A_31 = arith.constant 0 : index
    %get3A_32 = vector.load %arg7[%get3A_30, %get3A_31] : memref<1x128xf32, #tpu.memory_space<vmem>>, vector<1x128xf32>
    %get3A_33 = arith.constant 0 : index
    %get3A_34 = arith.constant 0 : index
    %get3A_35 = vector.load %arg8[%get3A_33, %get3A_34] : memref<128x128xf32, #tpu.memory_space<vmem>>, vector<128x128xf32>
    %get3A_36 = arith.constant 0 : index
    %get3A_37 = arith.constant 0 : index
    %get3A_38 = vector.load %arg9[%get3A_36, %get3A_37] : memref<1x128xf32, #tpu.memory_space<vmem>>, vector<1x128xf32>
    %dot_general3A = arith.constant dense<0.000000e+00> : vector<1000x128xf32>
    %dot_general3A_39 = tpu.matmul %get3A_7, %get3A_35, %dot_general3A {dimension_numbers = #tpu.dot_dimension_numbers<[1], [1], [0], [0], [0, 0, 1, 0], [], []>, transpose_lhs_hint = false} : vector<1000x128xf32>, vector<128x128xf32>, vector<1000x128xf32> -> vector<1000x128xf32>
    %add3A_40 = vector.broadcast %get3A_38 : vector<1x128xf32> to vector<1000x128xf32>
    %add3A_41 = arith.addf %dot_general3A_39, %add3A_40 : vector<1000x128xf32>
    %dot_general3A_42 = arith.constant dense<0.000000e+00> : vector<1000x128xf32>
    %dot_general3A_43 = tpu.matmul %get3A_7, %get3A_23, %dot_general3A_42 {dimension_numbers = #tpu.dot_dimension_numbers<[1], [1], [0], [0], [0, 0, 1, 0], [], []>, transpose_lhs_hint = false} : vector<1000x128xf32>, vector<128x128xf32>, vector<1000x128xf32> -> vector<1000x128xf32>
    %add3A_44 = vector.broadcast %get3A_26 : vector<1x128xf32> to vector<1000x128xf32>
    %add3A_45 = arith.addf %dot_general3A_43, %add3A_44 : vector<1000x128xf32>
    %max3A = arith.constant 0.000000e+00 : f32
    %max3A_46 = vector.broadcast %max3A : f32 to vector<1000x128xf32>
    %max3A_47 = arith.maximumf %add3A_45, %max3A_46 : vector<1000x128xf32>
    %dot_general3A_48 = arith.constant dense<0.000000e+00> : vector<1000x128xf32>
    %dot_general3A_49 = tpu.matmul %max3A_47, %get3A_29, %dot_general3A_48 {dimension_numbers = #tpu.dot_dimension_numbers<[1], [1], [0], [0], [0, 0, 1, 0], [], []>, transpose_lhs_hint = false} : vector<1000x128xf32>, vector<128x128xf32>, vector<1000x128xf32> -> vector<1000x128xf32>
    %add3A_50 = vector.broadcast %get3A_32 : vector<1x128xf32> to vector<1000x128xf32>
    %add3A_51 = arith.addf %dot_general3A_49, %add3A_50 : vector<1000x128xf32>
    %add3A_52 = arith.addf %add3A_51, %add3A_41 : vector<1000x128xf32>
    %swap3A_53 = arith.constant 0 : index
    %swap3A_54 = arith.constant 0 : index
    %swap3A_55 = vector.load %arg11[%swap3A_53, %swap3A_54] : memref<1000x128xf32, #tpu.memory_space<vmem>>, vector<1000x128xf32>
    tpu.vector_store %arg11[%swap3A_53, %swap3A_54], %add3A_52 {strides = array<i32>} : memref<1000x128xf32, #tpu.memory_space<vmem>>, vector<1000x128xf32>,
    return
  }
  func.func @transform_0(%arg0: i32) -> (i32, i32) {
    %c0_i32 = arith.constant 0 : i32
    %c0_i32_0 = arith.constant 0 : i32
    return %arg0, %c0_i32 : i32, i32
  }
  func.func @transform_1(%arg0: i32) -> (i32, i32) {
    %c0_i32 = arith.constant 0 : i32
    %c0_i32_0 = arith.constant 0 : i32
    return %arg0, %c0_i32 : i32, i32
  }
  func.func @transform_2(%arg0: i32) -> (i32, i32) {
    %c0_i32 = arith.constant 0 : i32
    %c0_i32_0 = arith.constant 0 : i32
    return %arg0, %c0_i32 : i32, i32
  }
  func.func @transform_3(%arg0: i32) -> (i32, i32) {
    %c0_i32 = arith.constant 0 : i32
    %c0_i32_0 = arith.constant 0 : i32
    %c0_i32_1 = arith.constant 0 : i32
    return %c0_i32, %c0_i32_0 : i32, i32
  }
  func.func @transform_4(%arg0: i32) -> (i32, i32) {
    %c0_i32 = arith.constant 0 : i32
    %c0_i32_0 = arith.constant 0 : i32
    %c0_i32_1 = arith.constant 0 : i32
    return %c0_i32, %c0_i32_0 : i32, i32
  }
  func.func @transform_5(%arg0: i32) -> (i32, i32) {
    %c0_i32 = arith.constant 0 : i32
    %c0_i32_0 = arith.constant 0 : i32
    %c0_i32_1 = arith.constant 0 : i32
    return %c0_i32, %c0_i32_0 : i32, i32
  }
  func.func @transform_6(%arg0: i32) -> (i32, i32) {
    %c0_i32 = arith.constant 0 : i32
    %c0_i32_0 = arith.constant 0 : i32
    %c0_i32_1 = arith.constant 0 : i32
    return %c0_i32, %c0_i32_0 : i32, i32
  }
  func.func @transform_7(%arg0: i32) -> (i32, i32) {
    %c0_i32 = arith.constant 0 : i32
    %c0_i32_0 = arith.constant 0 : i32
    %c0_i32_1 = arith.constant 0 : i32
    return %c0_i32, %c0_i32_0 : i32, i32
  }
  func.func @transform_8(%arg0: i32) -> (i32, i32) {
    %c0_i32 = arith.constant 0 : i32
    %c0_i32_0 = arith.constant 0 : i32
    %c0_i32_1 = arith.constant 0 : i32
    return %c0_i32, %c0_i32_0 : i32, i32
  }
  func.func @transform_9(%arg0: i32) -> (i32, i32, i32) {
    %c0_i32 = arith.constant 0 : i32
    %c0_i32_0 = arith.constant 0 : i32
    %c0_i32_1 = arith.constant 0 : i32
    return %c0_i32, %arg0, %c0_i32_0 : i32, i32, i32
  }
  func.func @transform_10(%arg0: i32) -> (i32, i32) {
    %c0_i32 = arith.constant 0 : i32
    %c0_i32_0 = arith.constant 0 : i32
    return %arg0, %c0_i32 : i32, i32
  }
}

module attributes {stable_mosaic.version = 14 : i64} {
  func.func @_stage2_body(%arg0: i32, %arg1: memref<1000x16xf32, #tpu.memory_space<vmem>>, %arg2: memref<1000x16xf32, #tpu.memory_space<vmem>>, %arg3: memref<1000x64xf32, #tpu.memory_space<vmem>>, %arg4: memref<1000x64xf32, #tpu.memory_space<vmem>>, %arg5: memref<128x128xf32, #tpu.memory_space<vmem>>, %arg6: memref<1x128xf32, #tpu.memory_space<vmem>>, %arg7: memref<128x128xf32, #tpu.memory_space<vmem>>, %arg8: memref<1x128xf32, #tpu.memory_space<vmem>>, %arg9: memref<128x128xf32, #tpu.memory_space<vmem>>, %arg10: memref<1x128xf32, #tpu.memory_space<vmem>>, %arg11: memref<1000x128xf32, #tpu.memory_space<vmem>>, %arg12: memref<2x1000x64xf32, #tpu.memory_space<vmem>>) attributes {dimension_semantics = [#tpu.dimension_semantics<arbitrary>], iteration_bounds = array<i64: 10>, scalar_prefetch = 0 : i64, scratch_operands = 0 : i64, tpu.core_type = #tpu.core_type<tc>, window_params = [{transform_indices = @transform_0, window_bounds = array<i64: 1000, 16>}, {transform_indices = @transform_1, window_bounds = array<i64: 1000, 16>}, {transform_indices = @transform_2, window_bounds = array<i64: 1000, 64>}, {transform_indices = @transform_3, window_bounds = array<i64: 1000, 64>}, {pipeline_mode = #tpu.pipeline_mode<synchronous>, transform_indices = @transform_4, window_bounds = array<i64: 128, 128>}, {pipeline_mode = #tpu.pipeline_mode<synchronous>, transform_indices = @transform_5, window_bounds = array<i64: 1, 128>}, {pipeline_mode = #tpu.pipeline_mode<synchronous>, transform_indices = @transform_6, window_bounds = array<i64: 128, 128>}, {pipeline_mode = #tpu.pipeline_mode<synchronous>, transform_indices = @transform_7, window_bounds = array<i64: 1, 128>}, {pipeline_mode = #tpu.pipeline_mode<synchronous>, transform_indices = @transform_8, window_bounds = array<i64: 128, 128>}, {pipeline_mode = #tpu.pipeline_mode<synchronous>, transform_indices = @transform_9, window_bounds = array<i64: 1, 128>}, {transform_indices = @transform_10, window_bounds = array<i64: 1000, 128>}, {transform_indices = @transform_11, window_bounds = array<i64: 2, 1000, 64>}]} {
    %get3A = arith.constant 0 : index
    %get3A_0 = arith.constant 0 : index
    %get3A_1 = vector.load %arg1[%get3A, %get3A_0] : memref<1000x16xf32, #tpu.memory_space<vmem>>, vector<1000x1xf32>
    %get3A_2 = arith.constant 0 : index
    %get3A_3 = arith.constant 0 : index
    %get3A_4 = vector.load %arg2[%get3A_2, %get3A_3] : memref<1000x16xf32, #tpu.memory_space<vmem>>, vector<1000x1xf32>
    %add3A = arith.addf %get3A_1, %get3A_4 : vector<1000x1xf32>
    %rsqrt3A = math.rsqrt %add3A : vector<1000x1xf32>
    %get3A_5 = arith.constant 0 : index
    %get3A_6 = arith.constant 0 : index
    %get3A_7 = vector.load %arg3[%get3A_5, %get3A_6] : memref<1000x64xf32, #tpu.memory_space<vmem>>, vector<1000x64xf32>
    %get3A_8 = arith.constant 0 : index
    %get3A_9 = arith.constant 0 : index
    %get3A_10 = vector.load %arg4[%get3A_8, %get3A_9] : memref<1000x64xf32, #tpu.memory_space<vmem>>, vector<1000x64xf32>
    %concatenate3A = tpu.concatenate %get3A_7, %get3A_10 in 1 : vector<1000x64xf32>, vector<1000x64xf32> -> vector<1000x128xf32>
    %mul3A = vector.broadcast %rsqrt3A : vector<1000x1xf32> to vector<1000x128xf32>
    %mul3A_11 = arith.mulf %mul3A, %concatenate3A : vector<1000x128xf32>
    %get3A_12 = arith.constant 0 : index
    %get3A_13 = arith.constant 0 : index
    %get3A_14 = vector.load %arg5[%get3A_12, %get3A_13] : memref<128x128xf32, #tpu.memory_space<vmem>>, vector<128x128xf32>
    %get3A_15 = arith.constant 0 : index
    %get3A_16 = arith.constant 0 : index
    %get3A_17 = vector.load %arg6[%get3A_15, %get3A_16] : memref<1x128xf32, #tpu.memory_space<vmem>>, vector<1x128xf32>
    %get3A_18 = arith.constant 0 : index
    %get3A_19 = arith.constant 0 : index
    %get3A_20 = vector.load %arg7[%get3A_18, %get3A_19] : memref<128x128xf32, #tpu.memory_space<vmem>>, vector<128x128xf32>
    %get3A_21 = arith.constant 0 : index
    %get3A_22 = arith.constant 0 : index
    %get3A_23 = vector.load %arg8[%get3A_21, %get3A_22] : memref<1x128xf32, #tpu.memory_space<vmem>>, vector<1x128xf32>
    %get3A_24 = arith.constant 0 : index
    %get3A_25 = arith.constant 0 : index
    %get3A_26 = vector.load %arg9[%get3A_24, %get3A_25] : memref<128x128xf32, #tpu.memory_space<vmem>>, vector<128x128xf32>
    %get3A_27 = arith.constant 0 : index
    %get3A_28 = arith.constant 0 : index
    %get3A_29 = vector.load %arg10[%get3A_27, %get3A_28] : memref<1x128xf32, #tpu.memory_space<vmem>>, vector<1x128xf32>
    %dot_general3A = arith.constant dense<0.000000e+00> : vector<1000x128xf32>
    %dot_general3A_30 = tpu.matmul %mul3A_11, %get3A_26, %dot_general3A {dimension_numbers = #tpu.dot_dimension_numbers<[1], [1], [0], [0], [0, 0, 1, 0], [], []>, transpose_lhs_hint = false} : vector<1000x128xf32>, vector<128x128xf32>, vector<1000x128xf32> -> vector<1000x128xf32>
    %add3A_31 = vector.broadcast %get3A_29 : vector<1x128xf32> to vector<1000x128xf32>
    %add3A_32 = arith.addf %dot_general3A_30, %add3A_31 : vector<1000x128xf32>
    %dot_general3A_33 = arith.constant dense<0.000000e+00> : vector<1000x128xf32>
    %dot_general3A_34 = tpu.matmul %mul3A_11, %get3A_14, %dot_general3A_33 {dimension_numbers = #tpu.dot_dimension_numbers<[1], [1], [0], [0], [0, 0, 1, 0], [], []>, transpose_lhs_hint = false} : vector<1000x128xf32>, vector<128x128xf32>, vector<1000x128xf32> -> vector<1000x128xf32>
    %add3A_35 = vector.broadcast %get3A_17 : vector<1x128xf32> to vector<1000x128xf32>
    %add3A_36 = arith.addf %dot_general3A_34, %add3A_35 : vector<1000x128xf32>
    %max3A = arith.constant 0.000000e+00 : f32
    %max3A_37 = vector.broadcast %max3A : f32 to vector<1000x128xf32>
    %max3A_38 = arith.maximumf %add3A_36, %max3A_37 : vector<1000x128xf32>
    %dot_general3A_39 = arith.constant dense<0.000000e+00> : vector<1000x128xf32>
    %dot_general3A_40 = tpu.matmul %max3A_38, %get3A_20, %dot_general3A_39 {dimension_numbers = #tpu.dot_dimension_numbers<[1], [1], [0], [0], [0, 0, 1, 0], [], []>, transpose_lhs_hint = false} : vector<1000x128xf32>, vector<128x128xf32>, vector<1000x128xf32> -> vector<1000x128xf32>
    %add3A_41 = vector.broadcast %get3A_23 : vector<1x128xf32> to vector<1000x128xf32>
    %add3A_42 = arith.addf %dot_general3A_40, %add3A_41 : vector<1000x128xf32>
    %add3A_43 = arith.addf %add3A_42, %add3A_32 : vector<1000x128xf32>
    %swap3A = arith.constant 0 : index
    %swap3A_44 = arith.constant 0 : index
    %swap3A_45 = vector.load %arg11[%swap3A, %swap3A_44] : memref<1000x128xf32, #tpu.memory_space<vmem>>, vector<1000x128xf32>
    tpu.vector_store %arg11[%swap3A, %swap3A_44], %add3A_43 {strides = array<i32>} : memref<1000x128xf32, #tpu.memory_space<vmem>>, vector<1000x128xf32>,
    %mul3A_46 = vector.broadcast %rsqrt3A : vector<1000x1xf32> to vector<1000x128xf32>
    %mul3A_47 = arith.mulf %mul3A_46, %mul3A_11 : vector<1000x128xf32>
    %slice3A = vector.extract_strided_slice %mul3A_47 {offsets = [0, 0], sizes = [1000, 64], strides = [1, 1]} : vector<1000x128xf32> to vector<1000x64xf32>
    %swap3A_48 = arith.constant 0 : index
    %swap3A_49 = arith.constant 0 : index
    %swap3A_50 = arith.constant 0 : index
    %swap3A_51 = vector.load %arg12[%swap3A_48, %swap3A_49, %swap3A_50] : memref<2x1000x64xf32, #tpu.memory_space<vmem>>, vector<1x1000x64xf32>
    %swap3A_52 = vector.shape_cast %swap3A_51 : vector<1x1000x64xf32> to vector<1000x64xf32>
    %swap3A_53 = vector.shape_cast %slice3A : vector<1000x64xf32> to vector<1x1000x64xf32>
    tpu.vector_store %arg12[%swap3A_48, %swap3A_49, %swap3A_50], %swap3A_53 {strides = array<i32>} : memref<2x1000x64xf32, #tpu.memory_space<vmem>>, vector<1x1000x64xf32>,
    %slice3A_54 = vector.extract_strided_slice %mul3A_47 {offsets = [0, 64], sizes = [1000, 64], strides = [1, 1]} : vector<1000x128xf32> to vector<1000x64xf32>
    %swap3A_55 = arith.constant 1 : index
    %swap3A_56 = arith.constant 0 : index
    %swap3A_57 = arith.constant 0 : index
    %swap3A_58 = vector.load %arg12[%swap3A_55, %swap3A_56, %swap3A_57] : memref<2x1000x64xf32, #tpu.memory_space<vmem>>, vector<1x1000x64xf32>
    %swap3A_59 = vector.shape_cast %swap3A_58 : vector<1x1000x64xf32> to vector<1000x64xf32>
    %swap3A_60 = vector.shape_cast %slice3A_54 : vector<1000x64xf32> to vector<1x1000x64xf32>
    tpu.vector_store %arg12[%swap3A_55, %swap3A_56, %swap3A_57], %swap3A_60 {strides = array<i32>} : memref<2x1000x64xf32, #tpu.memory_space<vmem>>, vector<1x1000x64xf32>,
    return
  }
  func.func @transform_0(%arg0: i32) -> (i32, i32) {
    %c0_i32 = arith.constant 0 : i32
    %c0_i32_0 = arith.constant 0 : i32
    return %arg0, %c0_i32 : i32, i32
  }
  func.func @transform_1(%arg0: i32) -> (i32, i32) {
    %c0_i32 = arith.constant 0 : i32
    %c0_i32_0 = arith.constant 0 : i32
    return %arg0, %c0_i32 : i32, i32
  }
  func.func @transform_2(%arg0: i32) -> (i32, i32) {
    %c0_i32 = arith.constant 0 : i32
    %c0_i32_0 = arith.constant 0 : i32
    return %arg0, %c0_i32 : i32, i32
  }
  func.func @transform_3(%arg0: i32) -> (i32, i32) {
    %c0_i32 = arith.constant 0 : i32
    %c0_i32_0 = arith.constant 0 : i32
    return %arg0, %c0_i32 : i32, i32
  }
  func.func @transform_4(%arg0: i32) -> (i32, i32) {
    %c0_i32 = arith.constant 0 : i32
    %c0_i32_0 = arith.constant 0 : i32
    %c0_i32_1 = arith.constant 0 : i32
    return %c0_i32, %c0_i32_0 : i32, i32
  }
  func.func @transform_5(%arg0: i32) -> (i32, i32) {
    %c0_i32 = arith.constant 0 : i32
    %c0_i32_0 = arith.constant 0 : i32
    %c0_i32_1 = arith.constant 0 : i32
    return %c0_i32, %c0_i32_0 : i32, i32
  }
  func.func @transform_6(%arg0: i32) -> (i32, i32) {
    %c0_i32 = arith.constant 0 : i32
    %c0_i32_0 = arith.constant 0 : i32
    %c0_i32_1 = arith.constant 0 : i32
    return %c0_i32, %c0_i32_0 : i32, i32
  }
  func.func @transform_7(%arg0: i32) -> (i32, i32) {
    %c0_i32 = arith.constant 0 : i32
    %c0_i32_0 = arith.constant 0 : i32
    %c0_i32_1 = arith.constant 0 : i32
    return %c0_i32, %c0_i32_0 : i32, i32
  }
  func.func @transform_8(%arg0: i32) -> (i32, i32) {
    %c0_i32 = arith.constant 0 : i32
    %c0_i32_0 = arith.constant 0 : i32
    %c0_i32_1 = arith.constant 0 : i32
    return %c0_i32, %c0_i32_0 : i32, i32
  }
  func.func @transform_9(%arg0: i32) -> (i32, i32) {
    %c0_i32 = arith.constant 0 : i32
    %c0_i32_0 = arith.constant 0 : i32
    %c0_i32_1 = arith.constant 0 : i32
    return %c0_i32, %c0_i32_0 : i32, i32
  }
  func.func @transform_10(%arg0: i32) -> (i32, i32) {
    %c0_i32 = arith.constant 0 : i32
    %c0_i32_0 = arith.constant 0 : i32
    return %arg0, %c0_i32 : i32, i32
  }
  func.func @transform_11(%arg0: i32) -> (i32, i32, i32) {
    %c0_i32 = arith.constant 0 : i32
    %c0_i32_0 = arith.constant 0 : i32
    %c0_i32_1 = arith.constant 0 : i32
    return %c0_i32, %arg0, %c0_i32_0 : i32, i32, i32
  }
}

module attributes {stable_mosaic.version = 14 : i64} {
  func.func @_stage3_body(%arg0: i32, %arg1: memref<1000x16xf32, #tpu.memory_space<vmem>>, %arg2: memref<1000x16xf32, #tpu.memory_space<vmem>>, %arg3: memref<1000x64xf32, #tpu.memory_space<vmem>>, %arg4: memref<1000x64xf32, #tpu.memory_space<vmem>>, %arg5: memref<1000x128xf32, #tpu.memory_space<vmem>>, %arg6: memref<1000x128xf32, #tpu.memory_space<vmem>>, %arg7: memref<128x128xf32, #tpu.memory_space<vmem>>, %arg8: memref<1x128xf32, #tpu.memory_space<vmem>>, %arg9: memref<128x128xf32, #tpu.memory_space<vmem>>, %arg10: memref<1x128xf32, #tpu.memory_space<vmem>>, %arg11: memref<128x128xf32, #tpu.memory_space<vmem>>, %arg12: memref<1x128xf32, #tpu.memory_space<vmem>>, %arg13: memref<128x384xf32, #tpu.memory_space<vmem>>, %arg14: memref<1x128xf32, #tpu.memory_space<vmem>>, %arg15: memref<128x128xf32, #tpu.memory_space<vmem>>, %arg16: memref<1x128xf32, #tpu.memory_space<vmem>>, %arg17: memref<128x384xf32, #tpu.memory_space<vmem>>, %arg18: memref<1x128xf32, #tpu.memory_space<vmem>>, %arg19: memref<1000x128xf32, #tpu.memory_space<vmem>>) attributes {dimension_semantics = [#tpu.dimension_semantics<arbitrary>], iteration_bounds = array<i64: 10>, scalar_prefetch = 0 : i64, scratch_operands = 0 : i64, tpu.core_type = #tpu.core_type<tc>, window_params = [{transform_indices = @transform_0, window_bounds = array<i64: 1000, 16>}, {transform_indices = @transform_1, window_bounds = array<i64: 1000, 16>}, {transform_indices = @transform_2, window_bounds = array<i64: 1000, 64>}, {transform_indices = @transform_3, window_bounds = array<i64: 1000, 64>}, {transform_indices = @transform_4, window_bounds = array<i64: 1000, 128>}, {transform_indices = @transform_5, window_bounds = array<i64: 1000, 128>}, {pipeline_mode = #tpu.pipeline_mode<synchronous>, transform_indices = @transform_6, window_bounds = array<i64: 128, 128>}, {pipeline_mode = #tpu.pipeline_mode<synchronous>, transform_indices = @transform_7, window_bounds = array<i64: 1, 128>}, {pipeline_mode = #tpu.pipeline_mode<synchronous>, transform_indices = @transform_8, window_bounds = array<i64: 128, 128>}, {pipeline_mode = #tpu.pipeline_mode<synchronous>, transform_indices = @transform_9, window_bounds = array<i64: 1, 128>}, {pipeline_mode = #tpu.pipeline_mode<synchronous>, transform_indices = @transform_10, window_bounds = array<i64: 128, 128>}, {pipeline_mode = #tpu.pipeline_mode<synchronous>, transform_indices = @transform_11, window_bounds = array<i64: 1, 128>}, {pipeline_mode = #tpu.pipeline_mode<synchronous>, transform_indices = @transform_12, window_bounds = array<i64: 128, 384>}, {pipeline_mode = #tpu.pipeline_mode<synchronous>, transform_indices = @transform_13, window_bounds = array<i64: 1, 128>}, {pipeline_mode = #tpu.pipeline_mode<synchronous>, transform_indices = @transform_14, window_bounds = array<i64: 128, 128>}, {pipeline_mode = #tpu.pipeline_mode<synchronous>, transform_indices = @transform_15, window_bounds = array<i64: 1, 128>}, {pipeline_mode = #tpu.pipeline_mode<synchronous>, transform_indices = @transform_16, window_bounds = array<i64: 128, 384>}, {pipeline_mode = #tpu.pipeline_mode<synchronous>, transform_indices = @transform_17, window_bounds = array<i64: 1, 128>}, {transform_indices = @transform_18, window_bounds = array<i64: 1000, 128>}]} {
    %get3A = arith.constant 0 : index
    %get3A_0 = arith.constant 0 : index
    %get3A_1 = vector.load %arg1[%get3A, %get3A_0] : memref<1000x16xf32, #tpu.memory_space<vmem>>, vector<1000x1xf32>
    %get3A_2 = arith.constant 0 : index
    %get3A_3 = arith.constant 0 : index
    %get3A_4 = vector.load %arg2[%get3A_2, %get3A_3] : memref<1000x16xf32, #tpu.memory_space<vmem>>, vector<1000x1xf32>
    %add3A = arith.addf %get3A_1, %get3A_4 : vector<1000x1xf32>
    %rsqrt3A = math.rsqrt %add3A : vector<1000x1xf32>
    %get3A_5 = arith.constant 0 : index
    %get3A_6 = arith.constant 0 : index
    %get3A_7 = vector.load %arg3[%get3A_5, %get3A_6] : memref<1000x64xf32, #tpu.memory_space<vmem>>, vector<1000x64xf32>
    %get3A_8 = arith.constant 0 : index
    %get3A_9 = arith.constant 0 : index
    %get3A_10 = vector.load %arg4[%get3A_8, %get3A_9] : memref<1000x64xf32, #tpu.memory_space<vmem>>, vector<1000x64xf32>
    %concatenate3A = tpu.concatenate %get3A_7, %get3A_10 in 1 : vector<1000x64xf32>, vector<1000x64xf32> -> vector<1000x128xf32>
    %mul3A = vector.broadcast %rsqrt3A : vector<1000x1xf32> to vector<1000x128xf32>
    %mul3A_11 = arith.mulf %mul3A, %concatenate3A : vector<1000x128xf32>
    %get3A_12 = arith.constant 0 : index
    %get3A_13 = arith.constant 0 : index
    %get3A_14 = vector.load %arg7[%get3A_12, %get3A_13] : memref<128x128xf32, #tpu.memory_space<vmem>>, vector<128x128xf32>
    %get3A_15 = arith.constant 0 : index
    %get3A_16 = arith.constant 0 : index
    %get3A_17 = vector.load %arg8[%get3A_15, %get3A_16] : memref<1x128xf32, #tpu.memory_space<vmem>>, vector<1x128xf32>
    %get3A_18 = arith.constant 0 : index
    %get3A_19 = arith.constant 0 : index
    %get3A_20 = vector.load %arg9[%get3A_18, %get3A_19] : memref<128x128xf32, #tpu.memory_space<vmem>>, vector<128x128xf32>
    %get3A_21 = arith.constant 0 : index
    %get3A_22 = arith.constant 0 : index
    %get3A_23 = vector.load %arg10[%get3A_21, %get3A_22] : memref<1x128xf32, #tpu.memory_space<vmem>>, vector<1x128xf32>
    %get3A_24 = arith.constant 0 : index
    %get3A_25 = arith.constant 0 : index
    %get3A_26 = vector.load %arg11[%get3A_24, %get3A_25] : memref<128x128xf32, #tpu.memory_space<vmem>>, vector<128x128xf32>
    %get3A_27 = arith.constant 0 : index
    %get3A_28 = arith.constant 0 : index
    %get3A_29 = vector.load %arg12[%get3A_27, %get3A_28] : memref<1x128xf32, #tpu.memory_space<vmem>>, vector<1x128xf32>
    %dot_general3A = arith.constant dense<0.000000e+00> : vector<1000x128xf32>
    %dot_general3A_30 = tpu.matmul %mul3A_11, %get3A_26, %dot_general3A {dimension_numbers = #tpu.dot_dimension_numbers<[1], [1], [0], [0], [0, 0, 1, 0], [], []>, transpose_lhs_hint = false} : vector<1000x128xf32>, vector<128x128xf32>, vector<1000x128xf32> -> vector<1000x128xf32>
    %add3A_31 = vector.broadcast %get3A_29 : vector<1x128xf32> to vector<1000x128xf32>
    %add3A_32 = arith.addf %dot_general3A_30, %add3A_31 : vector<1000x128xf32>
    %dot_general3A_33 = arith.constant dense<0.000000e+00> : vector<1000x128xf32>
    %dot_general3A_34 = tpu.matmul %mul3A_11, %get3A_14, %dot_general3A_33 {dimension_numbers = #tpu.dot_dimension_numbers<[1], [1], [0], [0], [0, 0, 1, 0], [], []>, transpose_lhs_hint = false} : vector<1000x128xf32>, vector<128x128xf32>, vector<1000x128xf32> -> vector<1000x128xf32>
    %add3A_35 = vector.broadcast %get3A_17 : vector<1x128xf32> to vector<1000x128xf32>
    %add3A_36 = arith.addf %dot_general3A_34, %add3A_35 : vector<1000x128xf32>
    %max3A = arith.constant 0.000000e+00 : f32
    %max3A_37 = vector.broadcast %max3A : f32 to vector<1000x128xf32>
    %max3A_38 = arith.maximumf %add3A_36, %max3A_37 : vector<1000x128xf32>
    %dot_general3A_39 = arith.constant dense<0.000000e+00> : vector<1000x128xf32>
    %dot_general3A_40 = tpu.matmul %max3A_38, %get3A_20, %dot_general3A_39 {dimension_numbers = #tpu.dot_dimension_numbers<[1], [1], [0], [0], [0, 0, 1, 0], [], []>, transpose_lhs_hint = false} : vector<1000x128xf32>, vector<128x128xf32>, vector<1000x128xf32> -> vector<1000x128xf32>
    %add3A_41 = vector.broadcast %get3A_23 : vector<1x128xf32> to vector<1000x128xf32>
    %add3A_42 = arith.addf %dot_general3A_40, %add3A_41 : vector<1000x128xf32>
    %add3A_43 = arith.addf %add3A_42, %add3A_32 : vector<1000x128xf32>
    %get3A_44 = arith.constant 0 : index
    %get3A_45 = arith.constant 0 : index
    %get3A_46 = vector.load %arg5[%get3A_44, %get3A_45] : memref<1000x128xf32, #tpu.memory_space<vmem>>, vector<1000x128xf32>
    %get3A_47 = arith.constant 0 : index
    %get3A_48 = arith.constant 0 : index
    %get3A_49 = vector.load %arg6[%get3A_47, %get3A_48] : memref<1000x128xf32, #tpu.memory_space<vmem>>, vector<1000x128xf32>
    %concatenate3A_50 = tpu.concatenate %get3A_46, %get3A_49, %add3A_43 in 1 : vector<1000x128xf32>, vector<1000x128xf32>, vector<1000x128xf32> -> vector<1000x384xf32>
    %get3A_51 = arith.constant 0 : index
    %get3A_52 = arith.constant 0 : index
    %get3A_53 = vector.load %arg13[%get3A_51, %get3A_52] : memref<128x384xf32, #tpu.memory_space<vmem>>, vector<128x384xf32>
    %get3A_54 = arith.constant 0 : index
    %get3A_55 = arith.constant 0 : index
    %get3A_56 = vector.load %arg14[%get3A_54, %get3A_55] : memref<1x128xf32, #tpu.memory_space<vmem>>, vector<1x128xf32>
    %get3A_57 = arith.constant 0 : index
    %get3A_58 = arith.constant 0 : index
    %get3A_59 = vector.load %arg15[%get3A_57, %get3A_58] : memref<128x128xf32, #tpu.memory_space<vmem>>, vector<128x128xf32>
    %get3A_60 = arith.constant 0 : index
    %get3A_61 = arith.constant 0 : index
    %get3A_62 = vector.load %arg16[%get3A_60, %get3A_61] : memref<1x128xf32, #tpu.memory_space<vmem>>, vector<1x128xf32>
    %get3A_63 = arith.constant 0 : index
    %get3A_64 = arith.constant 0 : index
    %get3A_65 = vector.load %arg17[%get3A_63, %get3A_64] : memref<128x384xf32, #tpu.memory_space<vmem>>, vector<128x384xf32>
    %get3A_66 = arith.constant 0 : index
    %get3A_67 = arith.constant 0 : index
    %get3A_68 = vector.load %arg18[%get3A_66, %get3A_67] : memref<1x128xf32, #tpu.memory_space<vmem>>, vector<1x128xf32>
    %dot_general3A_69 = arith.constant dense<0.000000e+00> : vector<1000x128xf32>
    %dot_general3A_70 = tpu.matmul %concatenate3A_50, %get3A_65, %dot_general3A_69 {dimension_numbers = #tpu.dot_dimension_numbers<[1], [1], [0], [0], [0, 0, 1, 0], [], []>, transpose_lhs_hint = false} : vector<1000x384xf32>, vector<128x384xf32>, vector<1000x128xf32> -> vector<1000x128xf32>
    %add3A_71 = vector.broadcast %get3A_68 : vector<1x128xf32> to vector<1000x128xf32>
    %add3A_72 = arith.addf %dot_general3A_70, %add3A_71 : vector<1000x128xf32>
    %dot_general3A_73 = arith.constant dense<0.000000e+00> : vector<1000x128xf32>
    %dot_general3A_74 = tpu.matmul %concatenate3A_50, %get3A_53, %dot_general3A_73 {dimension_numbers = #tpu.dot_dimension_numbers<[1], [1], [0], [0], [0, 0, 1, 0], [], []>, transpose_lhs_hint = false} : vector<1000x384xf32>, vector<128x384xf32>, vector<1000x128xf32> -> vector<1000x128xf32>
    %add3A_75 = vector.broadcast %get3A_56 : vector<1x128xf32> to vector<1000x128xf32>
    %add3A_76 = arith.addf %dot_general3A_74, %add3A_75 : vector<1000x128xf32>
    %max3A_77 = arith.constant 0.000000e+00 : f32
    %max3A_78 = vector.broadcast %max3A_77 : f32 to vector<1000x128xf32>
    %max3A_79 = arith.maximumf %add3A_76, %max3A_78 : vector<1000x128xf32>
    %dot_general3A_80 = arith.constant dense<0.000000e+00> : vector<1000x128xf32>
    %dot_general3A_81 = tpu.matmul %max3A_79, %get3A_59, %dot_general3A_80 {dimension_numbers = #tpu.dot_dimension_numbers<[1], [1], [0], [0], [0, 0, 1, 0], [], []>, transpose_lhs_hint = false} : vector<1000x128xf32>, vector<128x128xf32>, vector<1000x128xf32> -> vector<1000x128xf32>
    %add3A_82 = vector.broadcast %get3A_62 : vector<1x128xf32> to vector<1000x128xf32>
    %add3A_83 = arith.addf %dot_general3A_81, %add3A_82 : vector<1000x128xf32>
    %add3A_84 = arith.addf %add3A_83, %add3A_72 : vector<1000x128xf32>
    %swap3A = arith.constant 0 : index
    %swap3A_85 = arith.constant 0 : index
    %swap3A_86 = vector.load %arg19[%swap3A, %swap3A_85] : memref<1000x128xf32, #tpu.memory_space<vmem>>, vector<1000x128xf32>
    tpu.vector_store %arg19[%swap3A, %swap3A_85], %add3A_84 {strides = array<i32>} : memref<1000x128xf32, #tpu.memory_space<vmem>>, vector<1000x128xf32>,
    return
  }
  func.func @transform_0(%arg0: i32) -> (i32, i32) {
    %c0_i32 = arith.constant 0 : i32
    %c0_i32_0 = arith.constant 0 : i32
    return %arg0, %c0_i32 : i32, i32
  }
  func.func @transform_1(%arg0: i32) -> (i32, i32) {
    %c0_i32 = arith.constant 0 : i32
    %c0_i32_0 = arith.constant 0 : i32
    return %arg0, %c0_i32 : i32, i32
  }
  func.func @transform_2(%arg0: i32) -> (i32, i32) {
    %c0_i32 = arith.constant 0 : i32
    %c0_i32_0 = arith.constant 0 : i32
    return %arg0, %c0_i32 : i32, i32
  }
  func.func @transform_3(%arg0: i32) -> (i32, i32) {
    %c0_i32 = arith.constant 0 : i32
    %c0_i32_0 = arith.constant 0 : i32
    return %arg0, %c0_i32 : i32, i32
  }
  func.func @transform_4(%arg0: i32) -> (i32, i32) {
    %c0_i32 = arith.constant 0 : i32
    %c0_i32_0 = arith.constant 0 : i32
    return %arg0, %c0_i32 : i32, i32
  }
  func.func @transform_5(%arg0: i32) -> (i32, i32) {
    %c0_i32 = arith.constant 0 : i32
    %c0_i32_0 = arith.constant 0 : i32
    return %arg0, %c0_i32 : i32, i32
  }
  func.func @transform_6(%arg0: i32) -> (i32, i32) {
    %c0_i32 = arith.constant 0 : i32
    %c0_i32_0 = arith.constant 0 : i32
    %c0_i32_1 = arith.constant 0 : i32
    return %c0_i32, %c0_i32_0 : i32, i32
  }
  func.func @transform_7(%arg0: i32) -> (i32, i32) {
    %c0_i32 = arith.constant 0 : i32
    %c0_i32_0 = arith.constant 0 : i32
    %c0_i32_1 = arith.constant 0 : i32
    return %c0_i32, %c0_i32_0 : i32, i32
  }
  func.func @transform_8(%arg0: i32) -> (i32, i32) {
    %c0_i32 = arith.constant 0 : i32
    %c0_i32_0 = arith.constant 0 : i32
    %c0_i32_1 = arith.constant 0 : i32
    return %c0_i32, %c0_i32_0 : i32, i32
  }
  func.func @transform_9(%arg0: i32) -> (i32, i32) {
    %c0_i32 = arith.constant 0 : i32
    %c0_i32_0 = arith.constant 0 : i32
    %c0_i32_1 = arith.constant 0 : i32
    return %c0_i32, %c0_i32_0 : i32, i32
  }
  func.func @transform_10(%arg0: i32) -> (i32, i32) {
    %c0_i32 = arith.constant 0 : i32
    %c0_i32_0 = arith.constant 0 : i32
    %c0_i32_1 = arith.constant 0 : i32
    return %c0_i32, %c0_i32_0 : i32, i32
  }
  func.func @transform_11(%arg0: i32) -> (i32, i32) {
    %c0_i32 = arith.constant 0 : i32
    %c0_i32_0 = arith.constant 0 : i32
    %c0_i32_1 = arith.constant 0 : i32
    return %c0_i32, %c0_i32_0 : i32, i32
  }
  func.func @transform_12(%arg0: i32) -> (i32, i32) {
    %c0_i32 = arith.constant 0 : i32
    %c0_i32_0 = arith.constant 0 : i32
    %c0_i32_1 = arith.constant 0 : i32
    return %c0_i32, %c0_i32_0 : i32, i32
  }
  func.func @transform_13(%arg0: i32) -> (i32, i32) {
    %c0_i32 = arith.constant 0 : i32
    %c0_i32_0 = arith.constant 0 : i32
    %c0_i32_1 = arith.constant 0 : i32
    return %c0_i32, %c0_i32_0 : i32, i32
  }
  func.func @transform_14(%arg0: i32) -> (i32, i32) {
    %c0_i32 = arith.constant 0 : i32
    %c0_i32_0 = arith.constant 0 : i32
    %c0_i32_1 = arith.constant 0 : i32
    return %c0_i32, %c0_i32_0 : i32, i32
  }
  func.func @transform_15(%arg0: i32) -> (i32, i32) {
    %c0_i32 = arith.constant 0 : i32
    %c0_i32_0 = arith.constant 0 : i32
    %c0_i32_1 = arith.constant 0 : i32
    return %c0_i32, %c0_i32_0 : i32, i32
  }
  func.func @transform_16(%arg0: i32) -> (i32, i32) {
    %c0_i32 = arith.constant 0 : i32
    %c0_i32_0 = arith.constant 0 : i32
    %c0_i32_1 = arith.constant 0 : i32
    return %c0_i32, %c0_i32_0 : i32, i32
  }
  func.func @transform_17(%arg0: i32) -> (i32, i32) {
    %c0_i32 = arith.constant 0 : i32
    %c0_i32_0 = arith.constant 0 : i32
    %c0_i32_1 = arith.constant 0 : i32
    return %c0_i32, %c0_i32_0 : i32, i32
  }
  func.func @transform_18(%arg0: i32) -> (i32, i32) {
    %c0_i32 = arith.constant 0 : i32
    %c0_i32_0 = arith.constant 0 : i32
    return %arg0, %c0_i32 : i32, i32
  }
}

</mosaic_0001>

<sc_bundles>
// kernel: kernel.11.cloned.1.call-start
scs
__scs_entry_jumppad:
0x0: {  	(pc) =	sbr.rel $0x88, $3  }
0x1: {  	(tag) =	ssettag $0x0;
	lr =	simm.s32 $0x1  }
0x2: {  	[smem:$0x3F93] =	sst lr;
	_ =	strace $0xD0000000  }
0x3: {  	_ = 	snop  }
0x4: {  	_ = 	snop  }
0x5: {  	_ = 	snop  }
0x6: {  	_ = 	snop  }
0x7: {  	_ = 	snop  }
__scs_overlays_trampoline_lowered:
0x8: {  	[smem:$0x3FA2] =	sst s0  }
0x9: {  	[smem:$0x3FA3] =	sst s1  }
0xa: {  	[smem:$0x3FA4] =	sst s2  }
0xb: {  	[smem:$0x3FA5] =	sst s3  }
0xc: {  	[smem:$0x3FA6] =	sst s4  }
0xd: {  	[smem:$0x3FA7] =	sst s5  }
0xe: {  	[smem:$0x3FA8] =	sst s6  }
0xf: {  	[smem:$0x3FA9] =	sst s7  }
0x10: {  	[smem:$0x3FAA] =	sst s8  }
0x11: {  	[smem:$0x3FAB] =	sst s9;
	s0 =	simm.s32 @!p0 $0x0  }
0x12: {  	s1 =	sld [smem:$0x3F91];
	s0 =	simm.s32 @p0 $0x1  }
0x13: {  	[smem:$0x3FAC] =	sst s0;
	s0 =	simm.s32 @!p1 $0x0  }
0x14: {  	s2 =	sld [smem:$0x3F90];
	s0 =	simm.s32 @p1 $0x1  }
0x15: {  	[smem:$0x3FAD] =	sst s0;
	s0 =	simm.s32 @!p2 $0x0  }
0x16: {  	s3 =	sld [smem:$0x3FDB];
	s0 =	simm.s32 @p2 $0x1  }
0x17: {  	s4 =	simm.s32 $0x1BF5;
	[smem:$0x3FAF] =	sst s0  }
0x18: {  	s0 =	sld [smem:$0x3F92];
	_ =	swait.ge [sflag:s4], $0x0  }
0x19: {  	s7 =	sld [smem:$0x3F93]  }
0x1a: {  	s8 =	sadd.s32 $0xFFFFE003, lr  }
0x1b: {  	s9 =	sadd.s32 $0xFFFFFEF7, lr;
	s5 =	simm.s32 $0xFFFFFFFF;
	p2 =	slt.u32 s8, $0xFFFFF086  }
0x1c: {  	p1 =	slt.u32 s9, $0xF7A;
	s5 =	simm.s32 @!p2 $0x0  }
0x1d: {  	s5 =	simm.s32 @p1 $0x1;
	p0 =	seq.s32 s7, s2  }
0x1e: {  	s7 =	smul.u32 @!p0 $0xF7A, s2;
	p2 =	seq.s32 @!p0 s5, $0x0  }
0x1f: {  	s9 =	smul.u32 $0xF7A, s1;
	s8 =	simm.s32 @!p0 $0x1BF5;
	p2 =	por !p2, p0  }
0x20: {  	[sflag:s8] =	ssyncset.s32 @!p0 $0xFFFFF086;
	s6 =	sadd.s32 @!p0 s3, s7;
	s7 =	simm.s32 @!p0 $0x108  }
0x21: {  	s3 =	sadd.s32 s3, s9;
	s6 =	sadd.s32 @!p0 $0x88, s6;
	s7 =	simm.s32 @p2 $0x1082  }
0x22: {  	[simem:s7], [sflag:s8] =	dma.local @!p0 [hbm:s6], $0xF7A  }
0x23: {  	s9 =	sor.u32 $0xD0000000, s2;
	s6 =	simm.s32 $0x108;
	_ =	swait.ge @!p0 [sflag:s8], $0x0  }
0x24: {  	s3 =	sadd.s32 $0x88, s3;
	s6 =	simm.s32 @!p1 $0x1082;
	[sflag:s4] =	ssyncset.s32 $0xFFFFF086  }
0x25: {  	[simem:s6], [sflag:s4] =	dma.local [hbm:s3], $0xF7A  }
0x26: {  	[smem:$0x3F93] =	sst s1;
	(tag) =	ssettag s2;
	_ =	strace s9  }
0x27: {  	s1 =	sld [smem:$0x3FA3]  }
0x28: {  	s2 =	sld [smem:$0x3FA4]  }
0x29: {  	s4 =	sld [smem:$0x3FA6]  }
0x2a: {  	p0 =	seq.s32 s5, $0x0;
	s5 =	sld [smem:$0x3FA7]  }
0x2b: {  	s6 =	sld [smem:$0x3FA8]  }
0x2c: {  	s7 =	sld [smem:$0x3FA9]  }
0x2d: {  	s3 =	simm.s32 $0x108;
	s8 =	sld [smem:$0x3FAA]  }
0x2e: {  	s3 =	simm.s32 @!p0 $0x1082;
	s9 =	sld [smem:$0x3FAB]  }
0x2f: {  	lr =	sadd.s32 s0, s3;
	s0 =	sld [smem:$0x3FA2]  }
0x30: {  	s3 =	sld [smem:$0x3FA5]  }
0x31: {  	[smem:$0x3FAE] =	sst s10  }
0x32: {  	s10 =	sld [smem:$0x3FAC];
	_ =	sdelay $0x3  }
0x33: {  	p0 =	seq.s32 s10, $0x1;
	s10 =	sld [smem:$0x3FAE];
	_ =	sdelay $0x3  }
0x34: {  	[smem:$0x3FAE] =	sst s10  }
0x35: {  	s10 =	sld [smem:$0x3FAD];
	_ =	sdelay $0x3  }
0x36: {  	p1 =	seq.s32 s10, $0x1;
	s10 =	sld [smem:$0x3FAE];
	_ =	sdelay $0x3  }
0x37: {  	[smem:$0x3FAE] =	sst s10  }
0x38: {  	s10 =	sld [smem:$0x3FAF]  }
0x39: {  	_ = 	snop;
	(pc) =	sbr.ind lr, $3  }
0x3a: {  	_ = 	snop  }
0x3b: {  	_ = 	snop  }
0x3c: {  	p2 =	seq.s32 s10, $0x1;
	s10 =	sld [smem:$0x3FAE]  }
0x3d: {  	_ =	shalt  }
0x3e: {  	_ =	shalt  }
0x3f: {  	_ =	shalt  }
0x40: {  	_ =	shalt  }
0x41: {  	_ =	shalt  }
0x42: {  	_ =	shalt  }
0x43: {  	_ =	shalt  }
0x44: {  	_ =	shalt  }
0x45: {  	_ =	shalt  }
0x46: {  	_ =	shalt  }
0x47: {  	_ =	shalt  }
0x48: {  	_ =	shalt  }
0x49: {  	_ =	shalt  }
0x4a: {  	_ =	shalt  }
0x4b: {  	_ =	shalt  }
0x4c: {  	_ =	shalt  }
0x4d: {  	_ =	shalt  }
0x4e: {  	_ =	shalt  }
0x4f: {  	_ =	shalt  }
0x50: {  	_ =	shalt  }
0x51: {  	_ =	shalt  }
0x52: {  	_ =	shalt  }
0x53: {  	_ =	shalt  }
0x54: {  	_ =	shalt  }
0x55: {  	_ =	shalt  }
0x56: {  	_ =	shalt  }
0x57: {  	_ =	shalt  }
0x58: {  	_ =	shalt  }
0x59: {  	_ =	shalt  }
0x5a: {  	_ =	shalt  }
0x5b: {  	_ =	shalt  }
0x5c: {  	_ =	shalt  }
0x5d: {  	_ =	shalt  }
0x5e: {  	_ =	shalt  }
0x5f: {  	_ =	shalt  }
0x60: {  	_ =	shalt  }
0x61: {  	_ =	shalt  }
0x62: {  	_ =	shalt  }
0x63: {  	_ =	shalt  }
0x64: {  	_ =	shalt  }
0x65: {  	_ =	shalt  }
0x66: {  	_ =	shalt  }
0x67: {  	_ =	shalt  }
0x68: {  	_ =	shalt  }
0x69: {  	_ =	shalt  }
0x6a: {  	_ =	shalt  }
0x6b: {  	_ =	shalt  }
0x6c: {  	_ =	shalt  }
0x6d: {  	_ =	shalt  }
0x6e: {  	_ =	shalt  }
0x6f: {  	_ =	shalt  }
0x70: {  	_ =	shalt  }
0x71: {  	_ =	shalt  }
0x72: {  	_ =	shalt  }
0x73: {  	_ =	shalt  }
0x74: {  	_ =	shalt  }
0x75: {  	_ =	shalt  }
0x76: {  	_ =	shalt  }
0x77: {  	_ =	shalt  }
0x78: {  	_ =	shalt  }
0x79: {  	_ =	shalt  }
0x7a: {  	_ =	shalt  }
0x7b: {  	_ =	shalt  }
0x7c: {  	_ =	shalt  }
0x7d: {  	_ =	shalt  }
0x7e: {  	_ =	shalt  }
0x7f: {  	_ =	shalt  }
0x80: {  	_ =	shalt  }
0x81: {  	_ =	shalt  }
0x82: {  	_ =	shalt  }
0x83: {  	_ =	shalt  }
0x84: {  	_ =	shalt  }
0x85: {  	_ =	shalt  }
0x86: {  	_ =	shalt  }
0x87: {  	_ =	shalt  }
.Lfunc_end0:
.L_simem_size_0:
called_computation.1_lowered:
.L_overlay_start_0:
0x88: {  	s2 =	sld [smem:$0x3FD9]  }
0x89: {  	s3 =	sld [smem:$0x3FFE];
	_ =	sdelay $0x1  }
0x8a: {  	s1 =	srdreg.scid  }
0x8b: {  	s0 =	sand.u32 $0x1, s1  }
0x8c: {  	s17 =	sshll.u32 s0, $0xA;
	s2 =	sadd.s32 s3, s2  }
0x8d: {  	s2 =	sadd.s32 s2, s17  }
0x8e: {  	[smem:$0x3FBA] =	sst s2  }
0x8f: {  	_ = 	snop  }
0x90: {  	s2 =	sld [smem:$0x3FD0];
	(tm) =	ssettm $0x1  }
0x91: {  	s18 =	sld [smem:$0x3FFB];
	_ =	sdelay $0x3  }
0x92: {  	_ =	strace s18  }
0x93: {  	s3 =	sld [smem:$0x3FFC];
	_ =	sdelay $0x3  }
0x94: {  	_ =	strace s3  }
0x95: {  	s3 =	sld [smem:$0x3FFD];
	_ =	sdelay $0x3  }
0x96: {  	_ =	strace s3  }
0x97: {  	_ =	strace $0x8FFFFFFF  }
0x98: {  	s19 =	sld [smem:$0x3FDB];
	_ =	sdelay $0x1  }
0x99: {  	s4 =	simm.s32 $_scs_section_size  }
0x9a: {  	s5 =	simm.s32 $_size__tile_overlayer_lowered;
	s6 =	simm.s32 $_tile_overlayer_lowered  }
0x9b: {  	s22 =	simm.s32 $0x1BFF;
	s21 =	sshll.u32 s6, $0x1;
	s3 =	sadd.s32 s4, s19  }
0x9c: {  	s7 =	simm.s32 $0x0;
	s20 =	sshll.u32 s5, $0x1;
	s5 =	sadd.s32 s21, s3  }
0x9d: {  	[timem:s7], [sflag:s22] =	dma.local [hbm:s5], s20  }
0x9e: {  	_ =	swait.ge [sflag:s22], s20  }
0x9f: {  	s4 =	ssub.s32 $0x0, s20;
	[sflag:s22] =	ssyncset.done $0x0  }
0xa0: {  	[sflag:s22] =	ssyncadd.s32 s4;
	_ =	sdelay $0x1  }
0xa1: {  	s23 =	simm.s32 $0x1B8B  }
0xa2: {  	_ =	swait.ge [sflag:s23], $0x1  }
0xa3: {  	[sflag:s23] =	ssyncset.done $0x0  }
0xa4: {  	s25 =	simm.s32 $0x1B8E;
	s24 =	sld [smem:$0x3FFE];
	[sflag:s23] =	ssyncadd.s32 $0xFFFFFFFF  }
0xa5: {  	s26 =	simm.s32 $execute0_lowered;
	[smem:$0x3FD2] =	sst s25  }
0xa6: {  	s5 =	sshll.u32 s26, $0x1;
	_ =	strace $0x80000049;
	[dreg:$0x1] =	wrdreg $0xFFFFFFFF  }
0xa7: {  	s28 =	simm.s32 $_size_execute0_lowered;
	s3 =	sadd.s32 s3, s5;
	[dreg:$0x0] =	wrdreg $0x0  }
0xa8: {  	s5 =	sshll.u32 s28, $0x1;
	[dreg:$0x2] =	wrdreg s3  }
0xa9: {  	[dreg:$0x3] =	wrdreg s5  }
0xaa: {  	[dreg:$0x4] =	wrdreg $0xC0  }
0xab: {  	_ =	task [dreg:s7], $0x5FFFF  }
0xac: {  	[dreg:$0x1] =	wrdreg $0xFFFFFFFF  }
0xad: {  	[dreg:$0x0] =	wrdreg $0x60  }
0xae: {  	[dreg:$0x2] =	wrdreg s2  }
0xaf: {  	[dreg:$0x3] =	wrdreg s24  }
0xb0: {  	[dreg:$0x4] =	wrdreg $0xE0000  }
0xb1: {  	[dreg:$0x5] =	wrdreg $0x9  }
0xb2: {  	_ =	task.clear_ibuf [dreg:s7], $0x6FFFF;
	_ =	strace $0x90000049  }
0xb3: {  	s29 =	simm.s32 $0x9;
	_ =	strace $0x8000004B  }
0xb4: {  	_ =	swait.ge [sflag:s29], $0x1  }
0xb5: {  	[sflag:s29] =	ssyncadd.s32 $0xFFFFFFFF  }
0xb6: {  	_ =	strace $0x9000004B  }
0xb7: {  	_ =	sfence  }
0xb8: {  	s30 =	sld [smem:$0x0];
	_ =	sdelay $0x2  }
0xb9: {  	s31 =	sshll.u32 s1, $0xD;
	s1 =	sshrl.u32 s1, $0x2  }
0xba: {  	s3 =	sand.u32 $0x4000, s31;
	s1 =	sadd.s32 s1, s30  }
0xbb: {  	s0 =	sor.u32 s3, s0;
	s1 =	sshll.u32 s1, $0x11  }
0xbc: {  	s0 =	sor.u32 s1, s0  }
0xbd: {  	s0 =	sadd.s32 $0x8F2B, s0  }
0xbe: {  	[sflag:s0] =	ssyncadd.remote.s32 $0x1  }
0xbf: {  	_ =	sfence.sel $0xFFFF  }
0xc0: {  	[dreg:$0x0] =	wrdreg $0xFFFFFFFF;
	(pc) =	sbr.abs _section_cstart, $3  }
0xc1: {  	[dreg:$0x1] =	wrdreg $0xFFFFFFFF  }
0xc2: {  	_ =	task.clear_ibuf [dreg:s7], $0x2FFFF;
	_ =	strace $0x9FFFFFFF  }
0xc3: {  	(tm) =	ssettm $0x7FFFFFFF  }
tec
execute0_lowered:
.L_overlay_start_1:
0x0: {  	(tag) =	ssettag $0x1  }
0x1: {  	s11 =	rddreg [dreg:$0x0]  }
0x2: {  	s5 =	rddreg [dreg:$0x1]  }
0x3: {  	s2 =	rddreg [dreg:$0x2];
	s1 =	stileid.u32  }
0x4: {  	s0 =	rddreg [dreg:$0x3];
	s4 =	smul.u32 $0xA00, s1  }
0x5: {  	s3 =	simm.s32 $0x0;
	s6 =	srdreg.scid;
	s8 =	smul.u32 $0x28000, s1  }
0x6: {  	s22 =	simm.s32 $0x0;
	s9 =	sand.u32 $0x1, s6;
	s10 =	smul.u32 $0x280, s1  }
0x7: {  	[smem:$0x7FF] =	sst s3;
	s15 =	sadd.s32 $0x18200, s5;
	s17 =	smul.u32 $0x2800, s9  }
0x8: {  	_ =	strace $0x8000004A;
	s6 =	ssub.s32 $0x2, s9;
	s20 =	smul.u32 $0x13880, s9  }
0x9: {  	s7 =	sadd.s32 s4, s5;
	s4 =	sadd.s32 $0xDC00, s5;
	s29 =	sshrl.u32 s6, $0x1  }
0xa: {  	s8 =	sshrl.u32 s8, $0x2;
	s13 =	sadd.s32 $0xA0, s10;
	s14 =	sadd.s32 $0x140, s10  }
0xb: {  	s18 =	sadd.s32 $0x1E0, s10;
	s16 =	ssub.s32 s6, s29;
	s5 =	sadd.s32 $0xE200, s7  }
0xc: {  	s6 =	sadd.s32 $0x3A00, s7;
	s7 =	sadd.s32 s8, s2;
	s30 =	sshll.u32 s13, $0x6  }
0xd: {  	s12 =	sshll.u32 s14, $0x6;
	s19 =	sshll.u32 s18, $0x6;
	s21 =	sadd.s32 s10, s17  }
0xe: {  	s11 =	sadd.s32 s11, s20;
	s13 =	sadd.s32 s17, s13;
	s14 =	sadd.s32 s17, s14  }
0xf: {  	s17 =	sadd.s32 s17, s18;
	s18 =	simm.s32 $0x5000;
	s20 =	simm.s32 $0x100  }
0x10: {  	s8 =	sadd.s32 s30, s2;
	s9 =	sadd.s32 s12, s2;
	s10 =	sadd.s32 s19, s2  }
0x11: {  	s31 =	sshll.u32 s21, $0x3;
	s13 =	sshll.u32 s13, $0x3;
	s14 =	sshll.u32 s14, $0x3  }
0x12: {  	s17 =	sshll.u32 s17, $0x3;
	s16 =	smax.u32 s16, $0x1;
	s19 =	simm.s32 $0xA000  }
0x13: {  	s21 =	simm.s32 $0x1;
	s12 =	sadd.s32 s15, s31;
	s13 =	sadd.s32 s15, s13  }
0x14: {  	s14 =	sadd.s32 s15, s14;
	s15 =	sadd.s32 s15, s17;
	s17 =	simm.s32 $0x2  }
.LBB2_1:
0x15: {  	[tilespmem:s3], [sflag:$0x2] =	stream.linear.gather [hbm4b:s5+s3], $0x5000, $0x38;
	[tilespmem:$0x18000] =	vst v63  }
0x16: {  	_ =	swait.ge [sflag:s17], $0x5000  }
0x17: {  	[sflag:s17] =	ssyncset.done $0x0  }
0x18: {  	[sflag:s17] =	ssyncadd.s32 $0xFFFFB000  }
0x19: {  	[tilespmem:s18], [sflag:$0x2] =	stream.linear.gather [hbm4b:s6+s3], $0x5000, $0x38;
	[tilespmem:$0x18000] =	vst v63  }
0x1a: {  	_ =	swait.ge [sflag:s17], $0x5000  }
0x1b: {  	[sflag:s17] =	ssyncset.done $0x0  }
0x1c: {  	[sflag:s17] =	ssyncadd.s32 $0xFFFFB000  }
0x1d: {  	[tilespmem:s19], [sflag:$0x2] =	stream.linear.gather [hbm4b:s4+s3], $0x2800, $0x38;
	[tilespmem:$0x18000] =	vst v63  }
0x1e: {  	_ =	swait.ge [sflag:s17], $0x2800  }
0x1f: {  	[sflag:s17] =	ssyncset.done $0x0  }
0x20: {  	[sflag:s17] =	ssyncadd.s32 $0xFFFFD800  }
0x21: {  	[spmem:s7] =	stream.linear.scatter [tilespmem:s19], [sflag:$0x2], $0x2800, $0x38;
	[tilespmem:$0x18000] =	vst v63  }
0x22: {  	_ =	swait.ge [sflag:s17], $0x2800  }
0x23: {  	[sflag:s17] =	ssyncset.done $0x0  }
0x24: {  	[sflag:s17] =	ssyncadd.s32 $0xFFFFD800  }
0x25: {  	[spmem:s8] =	stream.linear.scatter [tilespmem:s19], [sflag:$0x2], $0x2800, $0x38;
	[tilespmem:$0x18000] =	vst v63  }
0x26: {  	_ =	swait.ge [sflag:s17], $0x2800  }
0x27: {  	[sflag:s17] =	ssyncset.done $0x0  }
0x28: {  	[sflag:s17] =	ssyncadd.s32 $0xFFFFD800  }
0x29: {  	[spmem:s9] =	stream.linear.scatter [tilespmem:s19], [sflag:$0x2], $0x2800, $0x38;
	[tilespmem:$0x18000] =	vst v63  }
0x2a: {  	_ =	swait.ge [sflag:s17], $0x2800  }
0x2b: {  	[sflag:s17] =	ssyncset.done $0x0  }
0x2c: {  	[sflag:s17] =	ssyncadd.s32 $0xFFFFD800  }
0x2d: {  	[spmem:s10] =	stream.linear.scatter [tilespmem:s19], [sflag:$0x2], $0x2800, $0x38;
	[tilespmem:$0x18000] =	vst v63  }
0x2e: {  	_ =	swait.ge [sflag:s17], $0x2800  }
0x2f: {  	[sflag:s17] =	ssyncset.done $0x0  }
0x30: {  	[sflag:s17] =	ssyncadd.s32 $0xFFFFD800  }
0x31: {  	s23 =	simm.s32 $0x0;
	[bflag:$0x0] =	sbarrier.arrive $0xFFFF  }
0x32: {  	[tilespmem:s19], [sflag:$0x1] =	stream.indirect.gather [hbm4b:s11+s20], $0x40, s23, s20, $0xb8;
	[tilespmem:$0x18000] =	vst v63  }
0x33: {  	_ =	swait.ge [sflag:s21], $0x4000  }
0x34: {  	[sflag:s21] =	ssyncset.done $0x0  }
0x35: {  	s31 =	simm.s32 $0x5000;
	[sflag:s21] =	ssyncadd.s32 $0xFFFFC000  }
0x36: {  	[spmem:s2] =	stream.indirect.scatter.add.f32 [tilespmem:s19], [sflag:$0x2], $0x40, s31, s20, $0xb8;
	[tilespmem:$0x18000] =	vst v63  }
0x37: {  	_ =	swait.ge [sflag:s17], $0x4000  }
0x38: {  	s24 =	simm.s32 $0x800;
	s23 =	simm.s32 $0x400;
	[sflag:s17] =	ssyncset.done $0x0  }
.LBB2_2:
0x39: {  	s25 =	sshra.s32 s23, $0x2  }
0x3a: {  	[sflag:s17] =	ssyncadd.s32 $0xFFFFC000;
	s23 =	smov.u32 s24;
	s26 =	sadd.s32 $0x400, s24  }
0x3b: {  	[tilespmem:s19], [sflag:$0x1] =	stream.indirect.gather [hbm4b:s11+s20], $0x40, s25, s20, $0xb8;
	[tilespmem:$0x18000] =	vst v63  }
0x3c: {  	p0 =	sne.s32 s24, $0x13C00;
	_ =	swait.ge [sflag:s21], $0x4000  }
.Ltmp0:
0x3d: {  	[sflag:s21] =	ssyncset.done $0x0;
	(pc) =	sbr.rel @p0 .LBB2_2-.Ltmp0, $4  }
0x3e: {  	s24 =	sadd.s32 $0x5000, s25;
	[sflag:s21] =	ssyncadd.s32 $0xFFFFC000  }
0x3f: {  	[spmem:s2] =	stream.indirect.scatter.add.f32 [tilespmem:s19], [sflag:$0x2], $0x40, s24, s20, $0xb8;
	[tilespmem:$0x18000] =	vst v63  }
0x40: {  	_ =	swait.ge [sflag:s17], $0x4000  }
0x41: {  	s24 =	smov.u32 s26;
	[sflag:s17] =	ssyncset.done $0x0  }
0x42: {  	s23 =	sshra.s32 s23, $0x2;
	[sflag:s17] =	ssyncadd.s32 $0xFFFFC000  }
0x43: {  	[tilespmem:s19], [sflag:$0x1] =	stream.indirect.gather [hbm4b:s11+s20], $0x40, s23, s20, $0xb8;
	[tilespmem:$0x18000] =	vst v63  }
0x44: {  	_ =	swait.ge [sflag:s21], $0x4000  }
0x45: {  	[sflag:s21] =	ssyncset.done $0x0  }
0x46: {  	s23 =	sadd.s32 $0x5000, s23;
	[sflag:s21] =	ssyncadd.s32 $0xFFFFC000  }
0x47: {  	[spmem:s2] =	stream.indirect.scatter.add.f32 [tilespmem:s19], [sflag:$0x2], $0x40, s23, s20, $0xb8;
	[tilespmem:$0x18000] =	vst v63  }
0x48: {  	_ =	swait.ge [sflag:s17], $0x4000  }
0x49: {  	[sflag:s17] =	ssyncset.done $0x0  }
0x4a: {  	[sflag:s17] =	ssyncadd.s32 $0xFFFFC000  }
0x4b: {  	[bflag:$0x0] =	sbarrier.arrive $0xFFFF  }
0x4c: {  	[tilespmem:s19], [sflag:$0x2] =	stream.linear.gather [spmem:s7], $0x2800, $0x38;
	[tilespmem:$0x18000] =	vst v63  }
0x4d: {  	_ =	swait.ge [sflag:s17], $0x2800  }
0x4e: {  	[sflag:s17] =	ssyncset.done $0x0  }
0x4f: {  	[sflag:s17] =	ssyncadd.s32 $0xFFFFD800  }
0x50: {  	[hbm4b:s12+s3] =	stream.linear.scatter [tilespmem:s19], [sflag:$0x2], $0x2800, $0x38;
	[tilespmem:$0x18000] =	vst v63  }
0x51: {  	_ =	swait.ge [sflag:s17], $0x2800  }
0x52: {  	[sflag:s17] =	ssyncset.done $0x0  }
0x53: {  	[sflag:s17] =	ssyncadd.s32 $0xFFFFD800  }
0x54: {  	[tilespmem:s19], [sflag:$0x2] =	stream.linear.gather [spmem:s8], $0x2800, $0x38;
	[tilespmem:$0x18000] =	vst v63  }
0x55: {  	_ =	swait.ge [sflag:s17], $0x2800  }
0x56: {  	[sflag:s17] =	ssyncset.done $0x0  }
0x57: {  	[sflag:s17] =	ssyncadd.s32 $0xFFFFD800  }
0x58: {  	[hbm4b:s13+s3] =	stream.linear.scatter [tilespmem:s19], [sflag:$0x2], $0x2800, $0x38;
	[tilespmem:$0x18000] =	vst v63  }
0x59: {  	_ =	swait.ge [sflag:s17], $0x2800  }
0x5a: {  	[sflag:s17] =	ssyncset.done $0x0  }
0x5b: {  	[sflag:s17] =	ssyncadd.s32 $0xFFFFD800  }
0x5c: {  	[tilespmem:s19], [sflag:$0x2] =	stream.linear.gather [spmem:s9], $0x2800, $0x38;
	[tilespmem:$0x18000] =	vst v63  }
0x5d: {  	_ =	swait.ge [sflag:s17], $0x2800  }
0x5e: {  	[sflag:s17] =	ssyncset.done $0x0  }
0x5f: {  	[sflag:s17] =	ssyncadd.s32 $0xFFFFD800  }
0x60: {  	[hbm4b:s14+s3] =	stream.linear.scatter [tilespmem:s19], [sflag:$0x2], $0x2800, $0x38;
	[tilespmem:$0x18000] =	vst v63  }
0x61: {  	_ =	swait.ge [sflag:s17], $0x2800  }
0x62: {  	[sflag:s17] =	ssyncset.done $0x0  }
0x63: {  	[sflag:s17] =	ssyncadd.s32 $0xFFFFD800  }
0x64: {  	[tilespmem:s19], [sflag:$0x2] =	stream.linear.gather [spmem:s10], $0x2800, $0x38;
	[tilespmem:$0x18000] =	vst v63  }
0x65: {  	s22 =	sadd.s32 $0x1, s22;
	_ =	swait.ge [sflag:s17], $0x2800  }
0x66: {  	p0 =	sne.s32 s22, s16;
	[sflag:s17] =	ssyncset.done $0x0  }
.Ltmp1:
0x67: {  	[sflag:s17] =	ssyncadd.s32 $0xFFFFD800;
	(pc) =	sbr.rel @p0 .LBB2_1-.Ltmp1, $4  }
0x68: {  	[hbm4b:s15+s3] =	stream.linear.scatter [tilespmem:s19], [sflag:$0x2], $0x2800, $0x38;
	[tilespmem:$0x18000] =	vst v63  }
0x69: {  	_ =	swait.ge [sflag:s17], $0x2800  }
0x6a: {  	[sflag:s17] =	ssyncset.done $0x0  }
0x6b: {  	[sflag:s17] =	ssyncadd.s32 $0xFFFFD800  }
0x6c: {  	_ =	sfence.sel $0x180000  }
0x6d: {  	[bflag:$0x0] =	sbarrier.arrive $0xFFFF  }
0x6e: {  	p0 =	sne.s32 s1, $0x0;
	_ =	strace $0x9000004A  }
0x6f: {  	s0 =	sadd.s32 @!p0 $0x100000, s0;
	[bflag:$0x2] =	sbarrier.arrive $0xFFFF  }
0x70: {  	[sflag:s0] =	ssyncadd.tile.s32 @!p0 $0x1;
	_ =	shalt  }
.Lfunc_end2:
_tile_overlayer_lowered:
.L_overlay_start_2:
0x71: {  	(tag) =	ssettag $0x2  }
0x72: {  	s0 =	rddreg [dreg:$0x0];
	s2 =	stileid.u32  }
0x73: {  	s1 =	rddreg [dreg:$0x1];
	p0 =	sne.s32 s2, $0x0  }
0x74: {  	s3 =	rddreg [dreg:$0x2];
	[bflag:$0x3] =	sbarrier.arrive $0xFFFF;
	s2 =	simm.s32 @!p0 $0x1C02  }
0x75: {  	[timem:s3], [sflag:s2] =	dma.local @!p0 [hbm:s0], s1  }
0x76: {  	s0 =	simm.s32 @!p0 $0x2  }
0x77: {  	_ =	swait.ge @!p0 [sflag:s0], s1  }
0x78: {  	s1 =	ssub.s32 @!p0 $0x0, s1;
	[sflag:s0] =	ssyncset.done @!p0 $0x0  }
0x79: {  	[sflag:s0] =	ssyncadd.s32 @!p0 s1  }
0x7a: {  	[bflag:$0x3] =	sbarrier.arrive $0xFFFF  }
0x7b: {  	_ =	shalt  }

// kernel: kernel.14.cloned.1.call-start
scs
__scs_entry_jumppad:
0x0: {  	(pc) =	sbr.rel $0x88, $3  }
0x1: {  	(tag) =	ssettag $0x0;
	lr =	simm.s32 $0x1  }
0x2: {  	[smem:$0x3F93] =	sst lr;
	_ =	strace $0xD0000000  }
0x3: {  	_ = 	snop  }
0x4: {  	_ = 	snop  }
0x5: {  	_ = 	snop  }
0x6: {  	_ = 	snop  }
0x7: {  	_ = 	snop  }
__scs_overlays_trampoline_lowered:
0x8: {  	[smem:$0x3FA2] =	sst s0  }
0x9: {  	[smem:$0x3FA3] =	sst s1  }
0xa: {  	[smem:$0x3FA4] =	sst s2  }
0xb: {  	[smem:$0x3FA5] =	sst s3  }
0xc: {  	[smem:$0x3FA6] =	sst s4  }
0xd: {  	[smem:$0x3FA7] =	sst s5  }
0xe: {  	[smem:$0x3FA8] =	sst s6  }
0xf: {  	[smem:$0x3FA9] =	sst s7  }
0x10: {  	[smem:$0x3FAA] =	sst s8  }
0x11: {  	[smem:$0x3FAB] =	sst s9;
	s0 =	simm.s32 @!p0 $0x0  }
0x12: {  	s1 =	sld [smem:$0x3F91];
	s0 =	simm.s32 @p0 $0x1  }
0x13: {  	[smem:$0x3FAC] =	sst s0;
	s0 =	simm.s32 @!p1 $0x0  }
0x14: {  	s2 =	sld [smem:$0x3F90];
	s0 =	simm.s32 @p1 $0x1  }
0x15: {  	[smem:$0x3FAD] =	sst s0;
	s0 =	simm.s32 @!p2 $0x0  }
0x16: {  	s3 =	sld [smem:$0x3FDB];
	s0 =	simm.s32 @p2 $0x1  }
0x17: {  	s4 =	simm.s32 $0x1BF5;
	[smem:$0x3FAF] =	sst s0  }
0x18: {  	s0 =	sld [smem:$0x3F92];
	_ =	swait.ge [sflag:s4], $0x0  }
0x19: {  	s7 =	sld [smem:$0x3F93]  }
0x1a: {  	s8 =	sadd.s32 $0xFFFFE003, lr  }
0x1b: {  	s9 =	sadd.s32 $0xFFFFFEF7, lr;
	s5 =	simm.s32 $0xFFFFFFFF;
	p2 =	slt.u32 s8, $0xFFFFF086  }
0x1c: {  	p1 =	slt.u32 s9, $0xF7A;
	s5 =	simm.s32 @!p2 $0x0  }
0x1d: {  	s5 =	simm.s32 @p1 $0x1;
	p0 =	seq.s32 s7, s2  }
0x1e: {  	s7 =	smul.u32 @!p0 $0xF7A, s2;
	p2 =	seq.s32 @!p0 s5, $0x0  }
0x1f: {  	s9 =	smul.u32 $0xF7A, s1;
	s8 =	simm.s32 @!p0 $0x1BF5;
	p2 =	por !p2, p0  }
0x20: {  	[sflag:s8] =	ssyncset.s32 @!p0 $0xFFFFF086;
	s6 =	sadd.s32 @!p0 s3, s7;
	s7 =	simm.s32 @!p0 $0x108  }
0x21: {  	s3 =	sadd.s32 s3, s9;
	s6 =	sadd.s32 @!p0 $0x88, s6;
	s7 =	simm.s32 @p2 $0x1082  }
0x22: {  	[simem:s7], [sflag:s8] =	dma.local @!p0 [hbm:s6], $0xF7A  }
0x23: {  	s9 =	sor.u32 $0xD0000000, s2;
	s6 =	simm.s32 $0x108;
	_ =	swait.ge @!p0 [sflag:s8], $0x0  }
0x24: {  	s3 =	sadd.s32 $0x88, s3;
	s6 =	simm.s32 @!p1 $0x1082;
	[sflag:s4] =	ssyncset.s32 $0xFFFFF086  }
0x25: {  	[simem:s6], [sflag:s4] =	dma.local [hbm:s3], $0xF7A  }
0x26: {  	[smem:$0x3F93] =	sst s1;
	(tag) =	ssettag s2;
	_ =	strace s9  }
0x27: {  	s1 =	sld [smem:$0x3FA3]  }
0x28: {  	s2 =	sld [smem:$0x3FA4]  }
0x29: {  	s4 =	sld [smem:$0x3FA6]  }
0x2a: {  	p0 =	seq.s32 s5, $0x0;
	s5 =	sld [smem:$0x3FA7]  }
0x2b: {  	s6 =	sld [smem:$0x3FA8]  }
0x2c: {  	s7 =	sld [smem:$0x3FA9]  }
0x2d: {  	s3 =	simm.s32 $0x108;
	s8 =	sld [smem:$0x3FAA]  }
0x2e: {  	s3 =	simm.s32 @!p0 $0x1082;
	s9 =	sld [smem:$0x3FAB]  }
0x2f: {  	lr =	sadd.s32 s0, s3;
	s0 =	sld [smem:$0x3FA2]  }
0x30: {  	s3 =	sld [smem:$0x3FA5]  }
0x31: {  	[smem:$0x3FAE] =	sst s10  }
0x32: {  	s10 =	sld [smem:$0x3FAC];
	_ =	sdelay $0x3  }
0x33: {  	p0 =	seq.s32 s10, $0x1;
	s10 =	sld [smem:$0x3FAE];
	_ =	sdelay $0x3  }
0x34: {  	[smem:$0x3FAE] =	sst s10  }
0x35: {  	s10 =	sld [smem:$0x3FAD];
	_ =	sdelay $0x3  }
0x36: {  	p1 =	seq.s32 s10, $0x1;
	s10 =	sld [smem:$0x3FAE];
	_ =	sdelay $0x3  }
0x37: {  	[smem:$0x3FAE] =	sst s10  }
0x38: {  	s10 =	sld [smem:$0x3FAF]  }
0x39: {  	_ = 	snop;
	(pc) =	sbr.ind lr, $3  }
0x3a: {  	_ = 	snop  }
0x3b: {  	_ = 	snop  }
0x3c: {  	p2 =	seq.s32 s10, $0x1;
	s10 =	sld [smem:$0x3FAE]  }
0x3d: {  	_ =	shalt  }
0x3e: {  	_ =	shalt  }
0x3f: {  	_ =	shalt  }
0x40: {  	_ =	shalt  }
0x41: {  	_ =	shalt  }
0x42: {  	_ =	shalt  }
0x43: {  	_ =	shalt  }
0x44: {  	_ =	shalt  }
0x45: {  	_ =	shalt  }
0x46: {  	_ =	shalt  }
0x47: {  	_ =	shalt  }
0x48: {  	_ =	shalt  }
0x49: {  	_ =	shalt  }
0x4a: {  	_ =	shalt  }
0x4b: {  	_ =	shalt  }
0x4c: {  	_ =	shalt  }
0x4d: {  	_ =	shalt  }
0x4e: {  	_ =	shalt  }
0x4f: {  	_ =	shalt  }
0x50: {  	_ =	shalt  }
0x51: {  	_ =	shalt  }
0x52: {  	_ =	shalt  }
0x53: {  	_ =	shalt  }
0x54: {  	_ =	shalt  }
0x55: {  	_ =	shalt  }
0x56: {  	_ =	shalt  }
0x57: {  	_ =	shalt  }
0x58: {  	_ =	shalt  }
0x59: {  	_ =	shalt  }
0x5a: {  	_ =	shalt  }
0x5b: {  	_ =	shalt  }
0x5c: {  	_ =	shalt  }
0x5d: {  	_ =	shalt  }
0x5e: {  	_ =	shalt  }
0x5f: {  	_ =	shalt  }
0x60: {  	_ =	shalt  }
0x61: {  	_ =	shalt  }
0x62: {  	_ =	shalt  }
0x63: {  	_ =	shalt  }
0x64: {  	_ =	shalt  }
0x65: {  	_ =	shalt  }
0x66: {  	_ =	shalt  }
0x67: {  	_ =	shalt  }
0x68: {  	_ =	shalt  }
0x69: {  	_ =	shalt  }
0x6a: {  	_ =	shalt  }
0x6b: {  	_ =	shalt  }
0x6c: {  	_ =	shalt  }
0x6d: {  	_ =	shalt  }
0x6e: {  	_ =	shalt  }
0x6f: {  	_ =	shalt  }
0x70: {  	_ =	shalt  }
0x71: {  	_ =	shalt  }
0x72: {  	_ =	shalt  }
0x73: {  	_ =	shalt  }
0x74: {  	_ =	shalt  }
0x75: {  	_ =	shalt  }
0x76: {  	_ =	shalt  }
0x77: {  	_ =	shalt  }
0x78: {  	_ =	shalt  }
0x79: {  	_ =	shalt  }
0x7a: {  	_ =	shalt  }
0x7b: {  	_ =	shalt  }
0x7c: {  	_ =	shalt  }
0x7d: {  	_ =	shalt  }
0x7e: {  	_ =	shalt  }
0x7f: {  	_ =	shalt  }
0x80: {  	_ =	shalt  }
0x81: {  	_ =	shalt  }
0x82: {  	_ =	shalt  }
0x83: {  	_ =	shalt  }
0x84: {  	_ =	shalt  }
0x85: {  	_ =	shalt  }
0x86: {  	_ =	shalt  }
0x87: {  	_ =	shalt  }
.Lfunc_end0:
.L_simem_size_0:
called_computation.2_lowered:
.L_overlay_start_0:
0x88: {  	s2 =	sld [smem:$0x3FD9]  }
0x89: {  	s3 =	sld [smem:$0x3FFE];
	_ =	sdelay $0x1  }
0x8a: {  	s1 =	srdreg.scid  }
0x8b: {  	s0 =	sand.u32 $0x1, s1  }
0x8c: {  	s17 =	sshll.u32 s0, $0xA;
	s2 =	sadd.s32 s3, s2  }
0x8d: {  	s2 =	sadd.s32 s2, s17  }
0x8e: {  	[smem:$0x3FBA] =	sst s2  }
0x8f: {  	_ = 	snop  }
0x90: {  	s2 =	sld [smem:$0x3FD0];
	(tm) =	ssettm $0x1  }
0x91: {  	s18 =	sld [smem:$0x3FFB];
	_ =	sdelay $0x3  }
0x92: {  	_ =	strace s18  }
0x93: {  	s3 =	sld [smem:$0x3FFC];
	_ =	sdelay $0x3  }
0x94: {  	_ =	strace s3  }
0x95: {  	s3 =	sld [smem:$0x3FFD];
	_ =	sdelay $0x3  }
0x96: {  	_ =	strace s3  }
0x97: {  	_ =	strace $0x8FFFFFFF  }
0x98: {  	s19 =	sld [smem:$0x3FDB];
	_ =	sdelay $0x1  }
0x99: {  	s4 =	simm.s32 $_scs_section_size  }
0x9a: {  	s5 =	simm.s32 $_size__tile_overlayer_lowered;
	s6 =	simm.s32 $_tile_overlayer_lowered  }
0x9b: {  	s22 =	simm.s32 $0x1BFF;
	s21 =	sshll.u32 s6, $0x1;
	s3 =	sadd.s32 s4, s19  }
0x9c: {  	s7 =	simm.s32 $0x0;
	s20 =	sshll.u32 s5, $0x1;
	s5 =	sadd.s32 s21, s3  }
0x9d: {  	[timem:s7], [sflag:s22] =	dma.local [hbm:s5], s20  }
0x9e: {  	_ =	swait.ge [sflag:s22], s20  }
0x9f: {  	s4 =	ssub.s32 $0x0, s20;
	[sflag:s22] =	ssyncset.done $0x0  }
0xa0: {  	[sflag:s22] =	ssyncadd.s32 s4;
	_ =	sdelay $0x1  }
0xa1: {  	s23 =	simm.s32 $0x1B8B  }
0xa2: {  	_ =	swait.ge [sflag:s23], $0x1  }
0xa3: {  	[sflag:s23] =	ssyncset.done $0x0  }
0xa4: {  	s25 =	simm.s32 $0x1B8E;
	s24 =	sld [smem:$0x3FFE];
	[sflag:s23] =	ssyncadd.s32 $0xFFFFFFFF  }
0xa5: {  	s26 =	simm.s32 $execute0_lowered;
	[smem:$0x3FD2] =	sst s25  }
0xa6: {  	s5 =	sshll.u32 s26, $0x1;
	_ =	strace $0x8000004C;
	[dreg:$0x1] =	wrdreg $0xFFFFFFFF  }
0xa7: {  	s28 =	simm.s32 $_size_execute0_lowered;
	s3 =	sadd.s32 s3, s5;
	[dreg:$0x0] =	wrdreg $0x0  }
0xa8: {  	s5 =	sshll.u32 s28, $0x1;
	[dreg:$0x2] =	wrdreg s3  }
0xa9: {  	[dreg:$0x3] =	wrdreg s5  }
0xaa: {  	[dreg:$0x4] =	wrdreg $0xC0  }
0xab: {  	_ =	task [dreg:s7], $0x5FFFF  }
0xac: {  	[dreg:$0x1] =	wrdreg $0xFFFFFFFF  }
0xad: {  	[dreg:$0x0] =	wrdreg $0x60  }
0xae: {  	[dreg:$0x2] =	wrdreg s2  }
0xaf: {  	[dreg:$0x3] =	wrdreg s24  }
0xb0: {  	[dreg:$0x4] =	wrdreg $0xE0000  }
0xb1: {  	[dreg:$0x5] =	wrdreg $0x9  }
0xb2: {  	_ =	task.clear_ibuf [dreg:s7], $0x6FFFF;
	_ =	strace $0x9000004C  }
0xb3: {  	s29 =	simm.s32 $0x9;
	_ =	strace $0x8000004E  }
0xb4: {  	_ =	swait.ge [sflag:s29], $0x1  }
0xb5: {  	[sflag:s29] =	ssyncadd.s32 $0xFFFFFFFF  }
0xb6: {  	_ =	strace $0x9000004E  }
0xb7: {  	_ =	sfence  }
0xb8: {  	s30 =	sld [smem:$0x0];
	_ =	sdelay $0x2  }
0xb9: {  	s31 =	sshll.u32 s1, $0xD;
	s1 =	sshrl.u32 s1, $0x2  }
0xba: {  	s3 =	sand.u32 $0x4000, s31;
	s1 =	sadd.s32 s1, s30  }
0xbb: {  	s0 =	sor.u32 s3, s0;
	s1 =	sshll.u32 s1, $0x11  }
0xbc: {  	s0 =	sor.u32 s1, s0  }
0xbd: {  	s0 =	sadd.s32 $0x8F2B, s0  }
0xbe: {  	[sflag:s0] =	ssyncadd.remote.s32 $0x1  }
0xbf: {  	_ =	sfence.sel $0xFFFF  }
0xc0: {  	[dreg:$0x0] =	wrdreg $0xFFFFFFFF;
	(pc) =	sbr.abs _section_cstart, $3  }
0xc1: {  	[dreg:$0x1] =	wrdreg $0xFFFFFFFF  }
0xc2: {  	_ =	task.clear_ibuf [dreg:s7], $0x2FFFF;
	_ =	strace $0x9FFFFFFF  }
0xc3: {  	(tm) =	ssettm $0x7FFFFFFF  }
tec
execute0_lowered:
.L_overlay_start_1:
0x0: {  	(tag) =	ssettag $0x1  }
0x1: {  	s11 =	rddreg [dreg:$0x0]  }
0x2: {  	s5 =	rddreg [dreg:$0x1]  }
0x3: {  	s2 =	rddreg [dreg:$0x2];
	s1 =	stileid.u32  }
0x4: {  	s0 =	rddreg [dreg:$0x3];
	s4 =	smul.u32 $0xA00, s1  }
0x5: {  	s3 =	simm.s32 $0x0;
	s6 =	srdreg.scid;
	s8 =	smul.u32 $0x28000, s1  }
0x6: {  	s22 =	simm.s32 $0x0;
	s9 =	sand.u32 $0x1, s6;
	s10 =	smul.u32 $0x280, s1  }
0x7: {  	[smem:$0x7FF] =	sst s3;
	s15 =	sadd.s32 $0x18200, s5;
	s17 =	smul.u32 $0x2800, s9  }
0x8: {  	_ =	strace $0x8000004D;
	s6 =	ssub.s32 $0x2, s9;
	s20 =	smul.u32 $0x13880, s9  }
0x9: {  	s7 =	sadd.s32 s4, s5;
	s4 =	sadd.s32 $0xDC00, s5;
	s29 =	sshrl.u32 s6, $0x1  }
0xa: {  	s8 =	sshrl.u32 s8, $0x2;
	s13 =	sadd.s32 $0xA0, s10;
	s14 =	sadd.s32 $0x140, s10  }
0xb: {  	s18 =	sadd.s32 $0x1E0, s10;
	s16 =	ssub.s32 s6, s29;
	s5 =	sadd.s32 $0xE200, s7  }
0xc: {  	s6 =	sadd.s32 $0x3A00, s7;
	s7 =	sadd.s32 s8, s2;
	s30 =	sshll.u32 s13, $0x6  }
0xd: {  	s12 =	sshll.u32 s14, $0x6;
	s19 =	sshll.u32 s18, $0x6;
	s21 =	sadd.s32 s10, s17  }
0xe: {  	s11 =	sadd.s32 s11, s20;
	s13 =	sadd.s32 s17, s13;
	s14 =	sadd.s32 s17, s14  }
0xf: {  	s17 =	sadd.s32 s17, s18;
	s18 =	simm.s32 $0x5000;
	s20 =	simm.s32 $0x100  }
0x10: {  	s8 =	sadd.s32 s30, s2;
	s9 =	sadd.s32 s12, s2;
	s10 =	sadd.s32 s19, s2  }
0x11: {  	s31 =	sshll.u32 s21, $0x3;
	s13 =	sshll.u32 s13, $0x3;
	s14 =	sshll.u32 s14, $0x3  }
0x12: {  	s17 =	sshll.u32 s17, $0x3;
	s16 =	smax.u32 s16, $0x1;
	s19 =	simm.s32 $0xA000  }
0x13: {  	s21 =	simm.s32 $0x1;
	s12 =	sadd.s32 s15, s31;
	s13 =	sadd.s32 s15, s13  }
0x14: {  	s14 =	sadd.s32 s15, s14;
	s15 =	sadd.s32 s15, s17;
	s17 =	simm.s32 $0x2  }
.LBB2_1:
0x15: {  	[tilespmem:s3], [sflag:$0x2] =	stream.linear.gather [hbm4b:s5+s3], $0x5000, $0x38;
	[tilespmem:$0x18000] =	vst v63  }
0x16: {  	_ =	swait.ge [sflag:s17], $0x5000  }
0x17: {  	[sflag:s17] =	ssyncset.done $0x0  }
0x18: {  	[sflag:s17] =	ssyncadd.s32 $0xFFFFB000  }
0x19: {  	[tilespmem:s18], [sflag:$0x2] =	stream.linear.gather [hbm4b:s6+s3], $0x5000, $0x38;
	[tilespmem:$0x18000] =	vst v63  }
0x1a: {  	_ =	swait.ge [sflag:s17], $0x5000  }
0x1b: {  	[sflag:s17] =	ssyncset.done $0x0  }
0x1c: {  	[sflag:s17] =	ssyncadd.s32 $0xFFFFB000  }
0x1d: {  	[tilespmem:s19], [sflag:$0x2] =	stream.linear.gather [hbm4b:s4+s3], $0x2800, $0x38;
	[tilespmem:$0x18000] =	vst v63  }
0x1e: {  	_ =	swait.ge [sflag:s17], $0x2800  }
0x1f: {  	[sflag:s17] =	ssyncset.done $0x0  }
0x20: {  	[sflag:s17] =	ssyncadd.s32 $0xFFFFD800  }
0x21: {  	[spmem:s7] =	stream.linear.scatter [tilespmem:s19], [sflag:$0x2], $0x2800, $0x38;
	[tilespmem:$0x18000] =	vst v63  }
0x22: {  	_ =	swait.ge [sflag:s17], $0x2800  }
0x23: {  	[sflag:s17] =	ssyncset.done $0x0  }
0x24: {  	[sflag:s17] =	ssyncadd.s32 $0xFFFFD800  }
0x25: {  	[spmem:s8] =	stream.linear.scatter [tilespmem:s19], [sflag:$0x2], $0x2800, $0x38;
	[tilespmem:$0x18000] =	vst v63  }
0x26: {  	_ =	swait.ge [sflag:s17], $0x2800  }
0x27: {  	[sflag:s17] =	ssyncset.done $0x0  }
0x28: {  	[sflag:s17] =	ssyncadd.s32 $0xFFFFD800  }
0x29: {  	[spmem:s9] =	stream.linear.scatter [tilespmem:s19], [sflag:$0x2], $0x2800, $0x38;
	[tilespmem:$0x18000] =	vst v63  }
0x2a: {  	_ =	swait.ge [sflag:s17], $0x2800  }
0x2b: {  	[sflag:s17] =	ssyncset.done $0x0  }
0x2c: {  	[sflag:s17] =	ssyncadd.s32 $0xFFFFD800  }
0x2d: {  	[spmem:s10] =	stream.linear.scatter [tilespmem:s19], [sflag:$0x2], $0x2800, $0x38;
	[tilespmem:$0x18000] =	vst v63  }
0x2e: {  	_ =	swait.ge [sflag:s17], $0x2800  }
0x2f: {  	[sflag:s17] =	ssyncset.done $0x0  }
0x30: {  	[sflag:s17] =	ssyncadd.s32 $0xFFFFD800  }
0x31: {  	s23 =	simm.s32 $0x0;
	[bflag:$0x0] =	sbarrier.arrive $0xFFFF  }
0x32: {  	[tilespmem:s19], [sflag:$0x1] =	stream.indirect.gather [hbm4b:s11+s20], $0x40, s23, s20, $0xb8;
	[tilespmem:$0x18000] =	vst v63  }
0x33: {  	_ =	swait.ge [sflag:s21], $0x4000  }
0x34: {  	[sflag:s21] =	ssyncset.done $0x0  }
0x35: {  	s31 =	simm.s32 $0x5000;
	[sflag:s21] =	ssyncadd.s32 $0xFFFFC000  }
0x36: {  	[spmem:s2] =	stream.indirect.scatter.add.f32 [tilespmem:s19], [sflag:$0x2], $0x40, s31, s20, $0xb8;
	[tilespmem:$0x18000] =	vst v63  }
0x37: {  	_ =	swait.ge [sflag:s17], $0x4000  }
0x38: {  	s24 =	simm.s32 $0x800;
	s23 =	simm.s32 $0x400;
	[sflag:s17] =	ssyncset.done $0x0  }
.LBB2_2:
0x39: {  	s25 =	sshra.s32 s23, $0x2  }
0x3a: {  	[sflag:s17] =	ssyncadd.s32 $0xFFFFC000;
	s23 =	smov.u32 s24;
	s26 =	sadd.s32 $0x400, s24  }
0x3b: {  	[tilespmem:s19], [sflag:$0x1] =	stream.indirect.gather [hbm4b:s11+s20], $0x40, s25, s20, $0xb8;
	[tilespmem:$0x18000] =	vst v63  }
0x3c: {  	p0 =	sne.s32 s24, $0x13C00;
	_ =	swait.ge [sflag:s21], $0x4000  }
.Ltmp0:
0x3d: {  	[sflag:s21] =	ssyncset.done $0x0;
	(pc) =	sbr.rel @p0 .LBB2_2-.Ltmp0, $4  }
0x3e: {  	s24 =	sadd.s32 $0x5000, s25;
	[sflag:s21] =	ssyncadd.s32 $0xFFFFC000  }
0x3f: {  	[spmem:s2] =	stream.indirect.scatter.add.f32 [tilespmem:s19], [sflag:$0x2], $0x40, s24, s20, $0xb8;
	[tilespmem:$0x18000] =	vst v63  }
0x40: {  	_ =	swait.ge [sflag:s17], $0x4000  }
0x41: {  	s24 =	smov.u32 s26;
	[sflag:s17] =	ssyncset.done $0x0  }
0x42: {  	s23 =	sshra.s32 s23, $0x2;
	[sflag:s17] =	ssyncadd.s32 $0xFFFFC000  }
0x43: {  	[tilespmem:s19], [sflag:$0x1] =	stream.indirect.gather [hbm4b:s11+s20], $0x40, s23, s20, $0xb8;
	[tilespmem:$0x18000] =	vst v63  }
0x44: {  	_ =	swait.ge [sflag:s21], $0x4000  }
0x45: {  	[sflag:s21] =	ssyncset.done $0x0  }
0x46: {  	s23 =	sadd.s32 $0x5000, s23;
	[sflag:s21] =	ssyncadd.s32 $0xFFFFC000  }
0x47: {  	[spmem:s2] =	stream.indirect.scatter.add.f32 [tilespmem:s19], [sflag:$0x2], $0x40, s23, s20, $0xb8;
	[tilespmem:$0x18000] =	vst v63  }
0x48: {  	_ =	swait.ge [sflag:s17], $0x4000  }
0x49: {  	[sflag:s17] =	ssyncset.done $0x0  }
0x4a: {  	[sflag:s17] =	ssyncadd.s32 $0xFFFFC000  }
0x4b: {  	[bflag:$0x0] =	sbarrier.arrive $0xFFFF  }
0x4c: {  	[tilespmem:s19], [sflag:$0x2] =	stream.linear.gather [spmem:s7], $0x2800, $0x38;
	[tilespmem:$0x18000] =	vst v63  }
0x4d: {  	_ =	swait.ge [sflag:s17], $0x2800  }
0x4e: {  	[sflag:s17] =	ssyncset.done $0x0  }
0x4f: {  	[sflag:s17] =	ssyncadd.s32 $0xFFFFD800  }
0x50: {  	[hbm4b:s12+s3] =	stream.linear.scatter [tilespmem:s19], [sflag:$0x2], $0x2800, $0x38;
	[tilespmem:$0x18000] =	vst v63  }
0x51: {  	_ =	swait.ge [sflag:s17], $0x2800  }
0x52: {  	[sflag:s17] =	ssyncset.done $0x0  }
0x53: {  	[sflag:s17] =	ssyncadd.s32 $0xFFFFD800  }
0x54: {  	[tilespmem:s19], [sflag:$0x2] =	stream.linear.gather [spmem:s8], $0x2800, $0x38;
	[tilespmem:$0x18000] =	vst v63  }
0x55: {  	_ =	swait.ge [sflag:s17], $0x2800  }
0x56: {  	[sflag:s17] =	ssyncset.done $0x0  }
0x57: {  	[sflag:s17] =	ssyncadd.s32 $0xFFFFD800  }
0x58: {  	[hbm4b:s13+s3] =	stream.linear.scatter [tilespmem:s19], [sflag:$0x2], $0x2800, $0x38;
	[tilespmem:$0x18000] =	vst v63  }
0x59: {  	_ =	swait.ge [sflag:s17], $0x2800  }
0x5a: {  	[sflag:s17] =	ssyncset.done $0x0  }
0x5b: {  	[sflag:s17] =	ssyncadd.s32 $0xFFFFD800  }
0x5c: {  	[tilespmem:s19], [sflag:$0x2] =	stream.linear.gather [spmem:s9], $0x2800, $0x38;
	[tilespmem:$0x18000] =	vst v63  }
0x5d: {  	_ =	swait.ge [sflag:s17], $0x2800  }
0x5e: {  	[sflag:s17] =	ssyncset.done $0x0  }
0x5f: {  	[sflag:s17] =	ssyncadd.s32 $0xFFFFD800  }
0x60: {  	[hbm4b:s14+s3] =	stream.linear.scatter [tilespmem:s19], [sflag:$0x2], $0x2800, $0x38;
	[tilespmem:$0x18000] =	vst v63  }
0x61: {  	_ =	swait.ge [sflag:s17], $0x2800  }
0x62: {  	[sflag:s17] =	ssyncset.done $0x0  }
0x63: {  	[sflag:s17] =	ssyncadd.s32 $0xFFFFD800  }
0x64: {  	[tilespmem:s19], [sflag:$0x2] =	stream.linear.gather [spmem:s10], $0x2800, $0x38;
	[tilespmem:$0x18000] =	vst v63  }
0x65: {  	s22 =	sadd.s32 $0x1, s22;
	_ =	swait.ge [sflag:s17], $0x2800  }
0x66: {  	p0 =	sne.s32 s22, s16;
	[sflag:s17] =	ssyncset.done $0x0  }
.Ltmp1:
0x67: {  	[sflag:s17] =	ssyncadd.s32 $0xFFFFD800;
	(pc) =	sbr.rel @p0 .LBB2_1-.Ltmp1, $4  }
0x68: {  	[hbm4b:s15+s3] =	stream.linear.scatter [tilespmem:s19], [sflag:$0x2], $0x2800, $0x38;
	[tilespmem:$0x18000] =	vst v63  }
0x69: {  	_ =	swait.ge [sflag:s17], $0x2800  }
0x6a: {  	[sflag:s17] =	ssyncset.done $0x0  }
0x6b: {  	[sflag:s17] =	ssyncadd.s32 $0xFFFFD800  }
0x6c: {  	_ =	sfence.sel $0x180000  }
0x6d: {  	[bflag:$0x0] =	sbarrier.arrive $0xFFFF  }
0x6e: {  	p0 =	sne.s32 s1, $0x0;
	_ =	strace $0x9000004D  }
0x6f: {  	s0 =	sadd.s32 @!p0 $0x100000, s0;
	[bflag:$0x2] =	sbarrier.arrive $0xFFFF  }
0x70: {  	[sflag:s0] =	ssyncadd.tile.s32 @!p0 $0x1;
	_ =	shalt  }
.Lfunc_end2:
_tile_overlayer_lowered:
.L_overlay_start_2:
0x71: {  	(tag) =	ssettag $0x2  }
0x72: {  	s0 =	rddreg [dreg:$0x0];
	s2 =	stileid.u32  }
0x73: {  	s1 =	rddreg [dreg:$0x1];
	p0 =	sne.s32 s2, $0x0  }
0x74: {  	s3 =	rddreg [dreg:$0x2];
	[bflag:$0x3] =	sbarrier.arrive $0xFFFF;
	s2 =	simm.s32 @!p0 $0x1C02  }
0x75: {  	[timem:s3], [sflag:s2] =	dma.local @!p0 [hbm:s0], s1  }
0x76: {  	s0 =	simm.s32 @!p0 $0x2  }
0x77: {  	_ =	swait.ge @!p0 [sflag:s0], s1  }
0x78: {  	s1 =	ssub.s32 @!p0 $0x0, s1;
	[sflag:s0] =	ssyncset.done @!p0 $0x0  }
0x79: {  	[sflag:s0] =	ssyncadd.s32 @!p0 s1  }
0x7a: {  	[bflag:$0x3] =	sbarrier.arrive $0xFFFF  }
0x7b: {  	_ =	shalt  }

// kernel: kernel.8.cloned.1.call-start
scs
__scs_entry_jumppad:
0x0: {  	(pc) =	sbr.rel $0x88, $3  }
0x1: {  	(tag) =	ssettag $0x0;
	lr =	simm.s32 $0x1  }
0x2: {  	[smem:$0x3F93] =	sst lr;
	_ =	strace $0xD0000000  }
0x3: {  	_ = 	snop  }
0x4: {  	_ = 	snop  }
0x5: {  	_ = 	snop  }
0x6: {  	_ = 	snop  }
0x7: {  	_ = 	snop  }
__scs_overlays_trampoline_lowered:
0x8: {  	[smem:$0x3FA2] =	sst s0  }
0x9: {  	[smem:$0x3FA3] =	sst s1  }
0xa: {  	[smem:$0x3FA4] =	sst s2  }
0xb: {  	[smem:$0x3FA5] =	sst s3  }
0xc: {  	[smem:$0x3FA6] =	sst s4  }
0xd: {  	[smem:$0x3FA7] =	sst s5  }
0xe: {  	[smem:$0x3FA8] =	sst s6  }
0xf: {  	[smem:$0x3FA9] =	sst s7  }
0x10: {  	[smem:$0x3FAA] =	sst s8  }
0x11: {  	[smem:$0x3FAB] =	sst s9;
	s0 =	simm.s32 @!p0 $0x0  }
0x12: {  	s1 =	sld [smem:$0x3F91];
	s0 =	simm.s32 @p0 $0x1  }
0x13: {  	[smem:$0x3FAC] =	sst s0;
	s0 =	simm.s32 @!p1 $0x0  }
0x14: {  	s2 =	sld [smem:$0x3F90];
	s0 =	simm.s32 @p1 $0x1  }
0x15: {  	[smem:$0x3FAD] =	sst s0;
	s0 =	simm.s32 @!p2 $0x0  }
0x16: {  	s3 =	sld [smem:$0x3FDB];
	s0 =	simm.s32 @p2 $0x1  }
0x17: {  	s4 =	simm.s32 $0x1BF5;
	[smem:$0x3FAF] =	sst s0  }
0x18: {  	s0 =	sld [smem:$0x3F92];
	_ =	swait.ge [sflag:s4], $0x0  }
0x19: {  	s7 =	sld [smem:$0x3F93]  }
0x1a: {  	s8 =	sadd.s32 $0xFFFFE003, lr  }
0x1b: {  	s9 =	sadd.s32 $0xFFFFFEF7, lr;
	s5 =	simm.s32 $0xFFFFFFFF;
	p2 =	slt.u32 s8, $0xFFFFF086  }
0x1c: {  	p1 =	slt.u32 s9, $0xF7A;
	s5 =	simm.s32 @!p2 $0x0  }
0x1d: {  	s5 =	simm.s32 @p1 $0x1;
	p0 =	seq.s32 s7, s2  }
0x1e: {  	s7 =	smul.u32 @!p0 $0xF7A, s2;
	p2 =	seq.s32 @!p0 s5, $0x0  }
0x1f: {  	s9 =	smul.u32 $0xF7A, s1;
	s8 =	simm.s32 @!p0 $0x1BF5;
	p2 =	por !p2, p0  }
0x20: {  	[sflag:s8] =	ssyncset.s32 @!p0 $0xFFFFF086;
	s6 =	sadd.s32 @!p0 s3, s7;
	s7 =	simm.s32 @!p0 $0x108  }
0x21: {  	s3 =	sadd.s32 s3, s9;
	s6 =	sadd.s32 @!p0 $0x88, s6;
	s7 =	simm.s32 @p2 $0x1082  }
0x22: {  	[simem:s7], [sflag:s8] =	dma.local @!p0 [hbm:s6], $0xF7A  }
0x23: {  	s9 =	sor.u32 $0xD0000000, s2;
	s6 =	simm.s32 $0x108;
	_ =	swait.ge @!p0 [sflag:s8], $0x0  }
0x24: {  	s3 =	sadd.s32 $0x88, s3;
	s6 =	simm.s32 @!p1 $0x1082;
	[sflag:s4] =	ssyncset.s32 $0xFFFFF086  }
0x25: {  	[simem:s6], [sflag:s4] =	dma.local [hbm:s3], $0xF7A  }
0x26: {  	[smem:$0x3F93] =	sst s1;
	(tag) =	ssettag s2;
	_ =	strace s9  }
0x27: {  	s1 =	sld [smem:$0x3FA3]  }
0x28: {  	s2 =	sld [smem:$0x3FA4]  }
0x29: {  	s4 =	sld [smem:$0x3FA6]  }
0x2a: {  	p0 =	seq.s32 s5, $0x0;
	s5 =	sld [smem:$0x3FA7]  }
0x2b: {  	s6 =	sld [smem:$0x3FA8]  }
0x2c: {  	s7 =	sld [smem:$0x3FA9]  }
0x2d: {  	s3 =	simm.s32 $0x108;
	s8 =	sld [smem:$0x3FAA]  }
0x2e: {  	s3 =	simm.s32 @!p0 $0x1082;
	s9 =	sld [smem:$0x3FAB]  }
0x2f: {  	lr =	sadd.s32 s0, s3;
	s0 =	sld [smem:$0x3FA2]  }
0x30: {  	s3 =	sld [smem:$0x3FA5]  }
0x31: {  	[smem:$0x3FAE] =	sst s10  }
0x32: {  	s10 =	sld [smem:$0x3FAC];
	_ =	sdelay $0x3  }
0x33: {  	p0 =	seq.s32 s10, $0x1;
	s10 =	sld [smem:$0x3FAE];
	_ =	sdelay $0x3  }
0x34: {  	[smem:$0x3FAE] =	sst s10  }
0x35: {  	s10 =	sld [smem:$0x3FAD];
	_ =	sdelay $0x3  }
0x36: {  	p1 =	seq.s32 s10, $0x1;
	s10 =	sld [smem:$0x3FAE];
	_ =	sdelay $0x3  }
0x37: {  	[smem:$0x3FAE] =	sst s10  }
0x38: {  	s10 =	sld [smem:$0x3FAF]  }
0x39: {  	_ = 	snop;
	(pc) =	sbr.ind lr, $3  }
0x3a: {  	_ = 	snop  }
0x3b: {  	_ = 	snop  }
0x3c: {  	p2 =	seq.s32 s10, $0x1;
	s10 =	sld [smem:$0x3FAE]  }
0x3d: {  	_ =	shalt  }
0x3e: {  	_ =	shalt  }
0x3f: {  	_ =	shalt  }
0x40: {  	_ =	shalt  }
0x41: {  	_ =	shalt  }
0x42: {  	_ =	shalt  }
0x43: {  	_ =	shalt  }
0x44: {  	_ =	shalt  }
0x45: {  	_ =	shalt  }
0x46: {  	_ =	shalt  }
0x47: {  	_ =	shalt  }
0x48: {  	_ =	shalt  }
0x49: {  	_ =	shalt  }
0x4a: {  	_ =	shalt  }
0x4b: {  	_ =	shalt  }
0x4c: {  	_ =	shalt  }
0x4d: {  	_ =	shalt  }
0x4e: {  	_ =	shalt  }
0x4f: {  	_ =	shalt  }
0x50: {  	_ =	shalt  }
0x51: {  	_ =	shalt  }
0x52: {  	_ =	shalt  }
0x53: {  	_ =	shalt  }
0x54: {  	_ =	shalt  }
0x55: {  	_ =	shalt  }
0x56: {  	_ =	shalt  }
0x57: {  	_ =	shalt  }
0x58: {  	_ =	shalt  }
0x59: {  	_ =	shalt  }
0x5a: {  	_ =	shalt  }
0x5b: {  	_ =	shalt  }
0x5c: {  	_ =	shalt  }
0x5d: {  	_ =	shalt  }
0x5e: {  	_ =	shalt  }
0x5f: {  	_ =	shalt  }
0x60: {  	_ =	shalt  }
0x61: {  	_ =	shalt  }
0x62: {  	_ =	shalt  }
0x63: {  	_ =	shalt  }
0x64: {  	_ =	shalt  }
0x65: {  	_ =	shalt  }
0x66: {  	_ =	shalt  }
0x67: {  	_ =	shalt  }
0x68: {  	_ =	shalt  }
0x69: {  	_ =	shalt  }
0x6a: {  	_ =	shalt  }
0x6b: {  	_ =	shalt  }
0x6c: {  	_ =	shalt  }
0x6d: {  	_ =	shalt  }
0x6e: {  	_ =	shalt  }
0x6f: {  	_ =	shalt  }
0x70: {  	_ =	shalt  }
0x71: {  	_ =	shalt  }
0x72: {  	_ =	shalt  }
0x73: {  	_ =	shalt  }
0x74: {  	_ =	shalt  }
0x75: {  	_ =	shalt  }
0x76: {  	_ =	shalt  }
0x77: {  	_ =	shalt  }
0x78: {  	_ =	shalt  }
0x79: {  	_ =	shalt  }
0x7a: {  	_ =	shalt  }
0x7b: {  	_ =	shalt  }
0x7c: {  	_ =	shalt  }
0x7d: {  	_ =	shalt  }
0x7e: {  	_ =	shalt  }
0x7f: {  	_ =	shalt  }
0x80: {  	_ =	shalt  }
0x81: {  	_ =	shalt  }
0x82: {  	_ =	shalt  }
0x83: {  	_ =	shalt  }
0x84: {  	_ =	shalt  }
0x85: {  	_ =	shalt  }
0x86: {  	_ =	shalt  }
0x87: {  	_ =	shalt  }
.Lfunc_end0:
.L_simem_size_0:
called_computation_lowered:
.L_overlay_start_0:
0x88: {  	s2 =	sld [smem:$0x3FD9]  }
0x89: {  	s3 =	sld [smem:$0x3FFE];
	_ =	sdelay $0x1  }
0x8a: {  	s1 =	srdreg.scid  }
0x8b: {  	s0 =	sand.u32 $0x1, s1  }
0x8c: {  	s17 =	sshll.u32 s0, $0xA;
	s2 =	sadd.s32 s3, s2  }
0x8d: {  	s2 =	sadd.s32 s2, s17  }
0x8e: {  	[smem:$0x3FBA] =	sst s2  }
0x8f: {  	_ = 	snop  }
0x90: {  	s2 =	sld [smem:$0x3FD0];
	(tm) =	ssettm $0x1  }
0x91: {  	s18 =	sld [smem:$0x3FFB];
	_ =	sdelay $0x3  }
0x92: {  	_ =	strace s18  }
0x93: {  	s3 =	sld [smem:$0x3FFC];
	_ =	sdelay $0x3  }
0x94: {  	_ =	strace s3  }
0x95: {  	s3 =	sld [smem:$0x3FFD];
	_ =	sdelay $0x3  }
0x96: {  	_ =	strace s3  }
0x97: {  	_ =	strace $0x8FFFFFFF  }
0x98: {  	s19 =	sld [smem:$0x3FDB];
	_ =	sdelay $0x1  }
0x99: {  	s4 =	simm.s32 $_scs_section_size  }
0x9a: {  	s5 =	simm.s32 $_size__tile_overlayer_lowered;
	s6 =	simm.s32 $_tile_overlayer_lowered  }
0x9b: {  	s22 =	simm.s32 $0x1BFF;
	s21 =	sshll.u32 s6, $0x1;
	s3 =	sadd.s32 s4, s19  }
0x9c: {  	s7 =	simm.s32 $0x0;
	s20 =	sshll.u32 s5, $0x1;
	s5 =	sadd.s32 s21, s3  }
0x9d: {  	[timem:s7], [sflag:s22] =	dma.local [hbm:s5], s20  }
0x9e: {  	_ =	swait.ge [sflag:s22], s20  }
0x9f: {  	s4 =	ssub.s32 $0x0, s20;
	[sflag:s22] =	ssyncset.done $0x0  }
0xa0: {  	[sflag:s22] =	ssyncadd.s32 s4;
	_ =	sdelay $0x1  }
0xa1: {  	s23 =	simm.s32 $0x1B8B  }
0xa2: {  	_ =	swait.ge [sflag:s23], $0x1  }
0xa3: {  	[sflag:s23] =	ssyncset.done $0x0  }
0xa4: {  	s25 =	simm.s32 $0x1B8E;
	s24 =	sld [smem:$0x3FFE];
	[sflag:s23] =	ssyncadd.s32 $0xFFFFFFFF  }
0xa5: {  	s26 =	simm.s32 $execute0_lowered;
	[smem:$0x3FD2] =	sst s25  }
0xa6: {  	s5 =	sshll.u32 s26, $0x1;
	_ =	strace $0x80000046;
	[dreg:$0x1] =	wrdreg $0xFFFFFFFF  }
0xa7: {  	s28 =	simm.s32 $_size_execute0_lowered;
	s3 =	sadd.s32 s3, s5;
	[dreg:$0x0] =	wrdreg $0x0  }
0xa8: {  	s5 =	sshll.u32 s28, $0x1;
	[dreg:$0x2] =	wrdreg s3  }
0xa9: {  	[dreg:$0x3] =	wrdreg s5  }
0xaa: {  	[dreg:$0x4] =	wrdreg $0xC0  }
0xab: {  	_ =	task [dreg:s7], $0x5FFFF  }
0xac: {  	[dreg:$0x1] =	wrdreg $0xFFFFFFFF  }
0xad: {  	[dreg:$0x0] =	wrdreg $0x60  }
0xae: {  	[dreg:$0x2] =	wrdreg s24  }
0xaf: {  	[dreg:$0x3] =	wrdreg s2  }
0xb0: {  	[dreg:$0x4] =	wrdreg $0x60000  }
0xb1: {  	[dreg:$0x5] =	wrdreg $0x9  }
0xb2: {  	_ =	task.clear_ibuf [dreg:s7], $0x6FFFF;
	_ =	strace $0x90000046  }
0xb3: {  	s29 =	simm.s32 $0x9;
	_ =	strace $0x80000048  }
0xb4: {  	_ =	swait.ge [sflag:s29], $0x1  }
0xb5: {  	[sflag:s29] =	ssyncadd.s32 $0xFFFFFFFF  }
0xb6: {  	_ =	strace $0x90000048  }
0xb7: {  	_ =	sfence  }
0xb8: {  	s30 =	sld [smem:$0x0];
	_ =	sdelay $0x2  }
0xb9: {  	s31 =	sshll.u32 s1, $0xD;
	s1 =	sshrl.u32 s1, $0x2  }
0xba: {  	s3 =	sand.u32 $0x4000, s31;
	s1 =	sadd.s32 s1, s30  }
0xbb: {  	s0 =	sor.u32 s3, s0;
	s1 =	sshll.u32 s1, $0x11  }
0xbc: {  	s0 =	sor.u32 s1, s0  }
0xbd: {  	s0 =	sadd.s32 $0x8F2B, s0  }
0xbe: {  	[sflag:s0] =	ssyncadd.remote.s32 $0x1  }
0xbf: {  	_ =	sfence.sel $0xFFFF  }
0xc0: {  	[dreg:$0x0] =	wrdreg $0xFFFFFFFF;
	(pc) =	sbr.abs _section_cstart, $3  }
0xc1: {  	[dreg:$0x1] =	wrdreg $0xFFFFFFFF  }
0xc2: {  	_ =	task.clear_ibuf [dreg:s7], $0x2FFFF;
	_ =	strace $0x9FFFFFFF  }
0xc3: {  	(tm) =	ssettm $0x7FFFFFFF  }
tec
execute0_lowered:
.L_overlay_start_1:
0x0: {  	(tag) =	ssettag $0x1  }
0x1: {  	s5 =	rddreg [dreg:$0x0]  }
0x2: {  	s0 =	srdreg.scid;
	s8 =	rddreg [dreg:$0x1]  }
0x3: {  	s2 =	rddreg [dreg:$0x2];
	s4 =	sand.u32 $0x1, s0;
	s0 =	stileid.u32  }
0x4: {  	s3 =	simm.s32 $0x0;
	s13 =	simm.s32 $0x100;
	s7 =	smul.u32 $0x500, s0  }
0x5: {  	s14 =	simm.s32 $0x0;
	[smem:$0x7FF] =	sst s3;
	s9 =	smul.u32 $0xA000, s0  }
0x6: {  	s1 =	sshll.u32 s4, $0x4;
	s10 =	ssub.s32 $0x2, s4;
	s11 =	smul.u32 $0x5000, s4  }
0x7: {  	s4 =	sadd.s32 $0xDA00, s5;
	s6 =	sor.u32 s0, s1;
	s1 =	rddreg [dreg:$0x3]  }
0x8: {  	_ =	strace $0x80000047;
	s12 =	sshrl.u32 s10, $0x1;
	s6 =	smul.u32 $0x500, s6  }
0x9: {  	s10 =	ssub.s32 s10, s12;
	s9 =	sshrl.u32 s9, $0x2;
	s11 =	sadd.s32 s7, s11  }
0xa: {  	s12 =	simm.s32 $0x3800;
	s7 =	sadd.s32 s9, s2;
	s8 =	sadd.s32 s8, s11  }
0xb: {  	s9 =	smax.u32 s10, $0x1;
	s10 =	simm.s32 $0x1;
	s6 =	sadd.s32 s6, s5  }
0xc: {  	s11 =	simm.s32 $0x2800;
	s5 =	sadd.s32 $0xDC00, s5;
	s6 =	sadd.s32 $0x3A00, s6  }
.LBB2_1:
0xd: {  	[tilespmem:s3], [sflag:$0x1] =	stream.linear.gather [hbm4b:s6+s3], $0x2800, $0x38;
	[tilespmem:$0x8800] =	vst v63  }
0xe: {  	_ =	swait.ge [sflag:s10], $0x2800  }
0xf: {  	[sflag:s10] =	ssyncset.done $0x0  }
0x10: {  	[sflag:s10] =	ssyncadd.s32 $0xFFFFD800  }
0x11: {  	[tilespmem:s11], [sflag:$0x1] =	stream.linear.gather [hbm4b:s4+s3], $0x1000, $0x38;
	[tilespmem:$0x8800] =	vst v63  }
0x12: {  	_ =	swait.ge [sflag:s10], $0x1000  }
0x13: {  	[sflag:s10] =	ssyncset.done $0x0  }
0x14: {  	[sflag:s10] =	ssyncadd.s32 $0xFFFFF000  }
0x15: {  	[tilespmem:s12], [sflag:$0x1] =	stream.linear.gather [hbm4b:s5+s3], $0x2800, $0x38;
	[tilespmem:$0x8800] =	vst v63  }
0x16: {  	_ =	swait.ge [sflag:s10], $0x2800  }
0x17: {  	[sflag:s10] =	ssyncset.done $0x0  }
0x18: {  	[sflag:s10] =	ssyncadd.s32 $0xFFFFD800  }
0x19: {  	[spmem:s7] =	stream.linear.scatter [tilespmem:s12], [sflag:$0x1], $0x2800, $0x38;
	[tilespmem:$0x8800] =	vst v63  }
0x1a: {  	_ =	swait.ge [sflag:s10], $0x2800  }
0x1b: {  	[sflag:s10] =	ssyncset.done $0x0  }
0x1c: {  	[sflag:s10] =	ssyncadd.s32 $0xFFFFD800  }
0x1d: {  	s15 =	simm.s32 $0x0;
	[bflag:$0x0] =	sbarrier.arrive $0xFFFF  }
0x1e: {  	[spmem:s2] =	stream.indirect.scatter.add.f32 [tilespmem:s11], [sflag:$0x1], $0x10, s15, s13, $0xb8;
	[tilespmem:$0x8800] =	vst v63  }
0x1f: {  	_ =	swait.ge [sflag:s10], $0x1000  }
0x20: {  	s15 =	simm.s32 $0x400;
	[sflag:s10] =	ssyncset.done $0x0  }
.LBB2_2:
0x21: {  	s16 =	sshra.s32 s15, $0x2;
	[sflag:s10] =	ssyncadd.s32 $0xFFFFF000;
	p0 =	sne.s32 s15, $0x9C00  }
0x22: {  	[spmem:s2] =	stream.indirect.scatter.add.f32 [tilespmem:s11], [sflag:$0x1], $0x10, s16, s13, $0xb8;
	[tilespmem:$0x8800] =	vst v63  }
.Ltmp0:
0x23: {  	_ = 	snop;
	(pc) =	sbr.rel @p0 .LBB2_2-.Ltmp0, $4  }
0x24: {  	_ = 	snop  }
0x25: {  	s15 =	sadd.s32 $0x400, s15  }
0x26: {  	_ =	swait.ge [sflag:s10], $0x1000  }
0x27: {  	[sflag:s10] =	ssyncset.done $0x0  }
0x28: {  	[sflag:s10] =	ssyncadd.s32 $0xFFFFF000  }
0x29: {  	[bflag:$0x0] =	sbarrier.arrive $0xFFFF  }
0x2a: {  	[tilespmem:s12], [sflag:$0x1] =	stream.linear.gather [spmem:s7], $0x2800, $0x38;
	[tilespmem:$0x8800] =	vst v63  }
0x2b: {  	s14 =	sadd.s32 $0x1, s14;
	_ =	swait.ge [sflag:s10], $0x2800  }
0x2c: {  	p0 =	sne.s32 s14, s9;
	[sflag:s10] =	ssyncset.done $0x0  }
.Ltmp1:
0x2d: {  	[sflag:s10] =	ssyncadd.s32 $0xFFFFD800;
	(pc) =	sbr.rel @p0 .LBB2_1-.Ltmp1, $4  }
0x2e: {  	[hbm4b:s8+s3] =	stream.linear.scatter [tilespmem:s12], [sflag:$0x1], $0x2800, $0x38;
	[tilespmem:$0x8800] =	vst v63  }
0x2f: {  	_ =	swait.ge [sflag:s10], $0x2800  }
0x30: {  	[sflag:s10] =	ssyncset.done $0x0  }
0x31: {  	[sflag:s10] =	ssyncadd.s32 $0xFFFFD800  }
0x32: {  	_ =	sfence.sel $0x180000  }
0x33: {  	[bflag:$0x0] =	sbarrier.arrive $0xFFFF  }
0x34: {  	p0 =	sne.s32 s0, $0x0;
	_ =	strace $0x90000047  }
0x35: {  	s0 =	sadd.s32 @!p0 $0x100000, s1;
	[bflag:$0x2] =	sbarrier.arrive $0xFFFF  }
0x36: {  	[sflag:s0] =	ssyncadd.tile.s32 @!p0 $0x1;
	_ =	shalt  }
.Lfunc_end2:
_tile_overlayer_lowered:
.L_overlay_start_2:
0x37: {  	(tag) =	ssettag $0x2  }
0x38: {  	s0 =	rddreg [dreg:$0x0];
	s2 =	stileid.u32  }
0x39: {  	s1 =	rddreg [dreg:$0x1];
	p0 =	sne.s32 s2, $0x0  }
0x3a: {  	s3 =	rddreg [dreg:$0x2];
	[bflag:$0x3] =	sbarrier.arrive $0xFFFF;
	s2 =	simm.s32 @!p0 $0x1C01  }
0x3b: {  	[timem:s3], [sflag:s2] =	dma.local @!p0 [hbm:s0], s1  }
0x3c: {  	s0 =	simm.s32 @!p0 $0x1  }
0x3d: {  	_ =	swait.ge @!p0 [sflag:s0], s1  }
0x3e: {  	s1 =	ssub.s32 @!p0 $0x0, s1;
	[sflag:s0] =	ssyncset.done @!p0 $0x0  }
0x3f: {  	[sflag:s0] =	ssyncadd.s32 @!p0 s1  }
0x40: {  	[bflag:$0x3] =	sbarrier.arrive $0xFFFF  }
0x41: {  	_ =	shalt  }

</sc_bundles>
